<compile_context>
chip_gen: v7x
topology: tpu7x:2x2x1
jax: 0.10.2.dev20260603
libtpu: 0.0.44.dev20260713+nightly
codegen_flags: <defaults>
</compile_context>

<pallas_src>
import functools

import jax
import jax.numpy as jnp
from jax import lax
from jax.experimental import pallas as pl
from jax.experimental.pallas import tpu as pltpu
from jax.experimental.pallas import tpu_sc as plsc

NC = 2
NS = 16
NW = NC * NS

CHUNK = 1024
NBUF = 4


@functools.lru_cache(maxsize=None)
def _build(total, embed_dim):
    per_w = total // NW
    n = per_w // CHUNK
    assert per_w % CHUNK == 0 and n % NBUF == 0 and n >= 2 * NBUF
    max_row = total // CHUNK - 1

    mesh = plsc.VectorSubcoreMesh(core_axis_name="c", subcore_axis_name="s")

    @functools.partial(
        pl.kernel,
        mesh=mesh,
        out_type=jax.ShapeDtypeStruct((total, embed_dim), jnp.float32),
        scratch_types=[
            pltpu.VMEM((NBUF, CHUNK), jnp.int32),
            pltpu.VMEM((NBUF * CHUNK, embed_dim), jnp.float32),
            [pltpu.SemaphoreType.DMA] * NBUF,
            [pltpu.SemaphoreType.DMA] * NBUF,
            [pltpu.SemaphoreType.DMA] * NBUF,
        ],
        compiler_params=pltpu.CompilerParams(use_tc_tiling_on_sc=False),
    )
    def emb_kernel(idx_hbm, table_hbm, out_hbm, idx_v, rows_v, isems, gsems,
                   osems):
        wid = lax.axis_index("s") * NC + lax.axis_index("c")

        def idx_row(v):
            return jnp.minimum(wid * n + v, max_row)

        def out_slice(v):
            base = pl.multiple_of((wid * n + v) * CHUNK, CHUNK)
            return out_hbm.at[pl.ds(base, CHUNK)]

        def idx_fetch(v, b):
            pltpu.async_copy(idx_hbm.at[pl.ds(idx_row(v), 1)],
                             idx_v.at[pl.ds(b, 1)], isems[b])

        def gather(v, b, drain_out):
            if drain_out:
                pltpu.make_async_copy(rows_v.at[pl.ds(b * CHUNK, CHUNK)],
                                      out_slice(v), osems[b]).wait()
            pltpu.make_async_copy(idx_hbm.at[pl.ds(idx_row(v), 1)],
                                  idx_v.at[pl.ds(b, 1)], isems[b]).wait()
            pltpu.async_copy(table_hbm.at[idx_v.at[b]],
                             rows_v.at[pl.ds(b * CHUNK, CHUNK)], gsems[b])

        def complete(v, b, prefetch):
            pltpu.make_async_copy(table_hbm.at[idx_v.at[b]],
                                  rows_v.at[pl.ds(b * CHUNK, CHUNK)],
                                  gsems[b]).wait()
            pltpu.async_copy(rows_v.at[pl.ds(b * CHUNK, CHUNK)],
                             out_slice(v), osems[b])
            if prefetch:
                idx_fetch(v + NBUF, b)

        for b in range(NBUF):
            idx_fetch(b, b)
        for v in range(NBUF):
            gather(v, v, False)
            if v >= 2:
                complete(v - 2, v - 2, True)

        def body(i, carry):
            for b in range(NBUF):
                v = i * NBUF + b
                gather(v, b, True)
                complete(v - 2, (b - 2) % NBUF, True)
            return carry

        lax.fori_loop(1, n // NBUF, body, 0)

        complete(n - 2, (n - 2) % NBUF, False)
        complete(n - 1, (n - 1) % NBUF, False)
        for v in range(n - NBUF, n):
            b = v % NBUF
            pltpu.make_async_copy(rows_v.at[pl.ds(b * CHUNK, CHUNK)],
                                  out_slice(v), osems[b]).wait()
        for v in range(n, n + NBUF - 2):
            b = v % NBUF
            pltpu.make_async_copy(idx_hbm.at[pl.ds(idx_row(v), 1)],
                                  idx_v.at[pl.ds(b, 1)], isems[b]).wait()

    return emb_kernel


def kernel(indices, emb_weight):
    batch, hist = indices.shape
    total = batch * hist
    embed_dim = emb_weight.shape[1]
    idx2d = indices.astype(jnp.int32).reshape(total // CHUNK, CHUNK)
    out = _build(total, embed_dim)(idx2d, emb_weight)
    return out.reshape(batch, hist, embed_dim)

# --- scband reference (transcript-rebuilt; emitter-appended) ---
"""Pipeline reference for scband-dummy-text-encoder-87153476370634 (READ-ONLY COPY).

The authoritative reference and input builder live on the scoring server;
editing this copy changes nothing except your own understanding.
"""

import jax, jax.numpy as jnp
import numpy as np

VOCAB = 1000000
EMBED_DIM = 16
BATCH = 16384
HIST = 200

def setup_inputs(seed: int = 0) -> dict:
    key = jax.random.key(seed)
    k_idx, k_emb = jax.random.split(key)
    indices = jax.random.randint(k_idx, (BATCH, HIST), 0, VOCAB, dtype=jnp.int64 if jax.config.jax_enable_x64 else jnp.int32)
    emb_weight = jax.random.normal(k_emb, (VOCAB, EMBED_DIM), dtype=jnp.float32)
    return {"indices": indices, "emb_weight": emb_weight}

def reference(indices, emb_weight):
    # Faithful translation of torch.nn.Embedding lookup: out[b, t, :] = emb_weight[indices[b, t], :]
    return jnp.take(emb_weight, indices, axis=0)

if __name__ == "__main__":
    import jax
    _d = setup_inputs()
    print(jax.jit(kernel)(*tuple(_d.values())))

</pallas_src>

<mosaic_0001>
#map = affine_map<(d0, d1) -> (0, 0)>
module attributes {stable_mosaic.version = 14 : i64} {
  func.func @emb_kernel(%arg0: i32, %arg1: i32, %arg2: memref<3200x1024xi32, #tpu.memory_space<hbm>>, %arg3: memref<1000000x16xf32, #tpu.memory_space<hbm>>, %arg4: memref<3276800x16xf32, #tpu.memory_space<hbm>>, %arg5: memref<4x1024xi32, #tpu.memory_space<vmem>>, %arg6: memref<4096x16xf32, #tpu.memory_space<vmem>>, %arg7: memref<!tpu.dma_semaphore, #tpu.memory_space<semaphore_mem>>, %arg8: memref<!tpu.dma_semaphore, #tpu.memory_space<semaphore_mem>>, %arg9: memref<!tpu.dma_semaphore, #tpu.memory_space<semaphore_mem>>, %arg10: memref<!tpu.dma_semaphore, #tpu.memory_space<semaphore_mem>>, %arg11: memref<!tpu.dma_semaphore, #tpu.memory_space<semaphore_mem>>, %arg12: memref<!tpu.dma_semaphore, #tpu.memory_space<semaphore_mem>>, %arg13: memref<!tpu.dma_semaphore, #tpu.memory_space<semaphore_mem>>, %arg14: memref<!tpu.dma_semaphore, #tpu.memory_space<semaphore_mem>>, %arg15: memref<!tpu.dma_semaphore, #tpu.memory_space<semaphore_mem>>, %arg16: memref<!tpu.dma_semaphore, #tpu.memory_space<semaphore_mem>>, %arg17: memref<!tpu.dma_semaphore, #tpu.memory_space<semaphore_mem>>, %arg18: memref<!tpu.dma_semaphore, #tpu.memory_space<semaphore_mem>>) attributes {dimension_semantics = [#tpu.dimension_semantics<core_parallel>, #tpu.dimension_semantics<subcore_parallel>], iteration_bounds = array<i64: 2, 16>, scalar_prefetch = 0 : i64, scratch_operands = 14 : i64, tpu.core_type = #tpu.core_type<sc_vector_subcore>, window_params = [{transform_indices = #map}, {transform_indices = #map}, {transform_indices = #map}]} {
    %mul3A = arith.constant 2 : i32
    %mul3A_0 = arith.muli %arg1, %mul3A : i32
    %add3A = arith.addi %mul3A_0, %arg0 : i32
    %mul3A_1 = arith.constant 100 : i32
    %mul3A_2 = arith.muli %add3A, %mul3A_1 : i32
    %add3A_3 = arith.constant 0 : i32
    %add3A_4 = arith.addi %mul3A_2, %add3A_3 : i32
    %min3A = arith.constant 3199 : i32
    %min3A_5 = arith.minsi %add3A_4, %min3A : i32
    %dma_start3A = arith.constant 0 : i32
    %dma_start3A_6 = arith.constant 0 : i32
    %dma_start3A_7 = tpu.memref_slice %arg5[%dma_start3A, %dma_start3A_6] : memref<4x1024xi32, #tpu.memory_space<vmem>> -> memref<1x1024xi32, #tpu.memory_space<vmem>>
    %dma_start3A_8 = arith.constant 0 : i32
    %dma_start3A_9 = tpu.memref_slice %arg2[%min3A_5, %dma_start3A_8] : memref<3200x1024xi32, #tpu.memory_space<hbm>> -> memref<1x1024xi32, #tpu.memory_space<hbm>>
    %dma_start3A_10 = arith.constant 0 : i32
    %dma_start3A_11 = arith.constant 0 : i32
    %dma_start3A_12 = tpu.memref_slice %arg5[%dma_start3A_10, %dma_start3A_11] : memref<4x1024xi32, #tpu.memory_space<vmem>> -> memref<1x1024xi32, #tpu.memory_space<vmem>>
    %dma_start3A_13 = arith.constant 0 : i32
    %dma_start3A_14 = tpu.memref_slice %arg2[%min3A_5, %dma_start3A_13] : memref<3200x1024xi32, #tpu.memory_space<hbm>> -> memref<1x1024xi32, #tpu.memory_space<hbm>>
    tpu.enqueue_dma source(%dma_start3A_14 : memref<1x1024xi32, #tpu.memory_space<hbm>>) target(%dma_start3A_12 : memref<1x1024xi32, #tpu.memory_space<vmem>>) target_semaphore(%arg7 : memref<!tpu.dma_semaphore, #tpu.memory_space<semaphore_mem>>)
    %mul3A_15 = arith.constant 100 : i32
    %mul3A_16 = arith.muli %add3A, %mul3A_15 : i32
    %add3A_17 = arith.constant 1 : i32
    %add3A_18 = arith.addi %mul3A_16, %add3A_17 : i32
    %min3A_19 = arith.constant 3199 : i32
    %min3A_20 = arith.minsi %add3A_18, %min3A_19 : i32
    %dma_start3A_21 = arith.constant 1 : i32
    %dma_start3A_22 = arith.constant 0 : i32
    %dma_start3A_23 = tpu.memref_slice %arg5[%dma_start3A_21, %dma_start3A_22] : memref<4x1024xi32, #tpu.memory_space<vmem>> -> memref<1x1024xi32, #tpu.memory_space<vmem>>
    %dma_start3A_24 = arith.constant 0 : i32
    %dma_start3A_25 = tpu.memref_slice %arg2[%min3A_20, %dma_start3A_24] : memref<3200x1024xi32, #tpu.memory_space<hbm>> -> memref<1x1024xi32, #tpu.memory_space<hbm>>
    %dma_start3A_26 = arith.constant 1 : i32
    %dma_start3A_27 = arith.constant 0 : i32
    %dma_start3A_28 = tpu.memref_slice %arg5[%dma_start3A_26, %dma_start3A_27] : memref<4x1024xi32, #tpu.memory_space<vmem>> -> memref<1x1024xi32, #tpu.memory_space<vmem>>
    %dma_start3A_29 = arith.constant 0 : i32
    %dma_start3A_30 = tpu.memref_slice %arg2[%min3A_20, %dma_start3A_29] : memref<3200x1024xi32, #tpu.memory_space<hbm>> -> memref<1x1024xi32, #tpu.memory_space<hbm>>
    tpu.enqueue_dma source(%dma_start3A_30 : memref<1x1024xi32, #tpu.memory_space<hbm>>) target(%dma_start3A_28 : memref<1x1024xi32, #tpu.memory_space<vmem>>) target_semaphore(%arg8 : memref<!tpu.dma_semaphore, #tpu.memory_space<semaphore_mem>>)
    %mul3A_31 = arith.constant 100 : i32
    %mul3A_32 = arith.muli %add3A, %mul3A_31 : i32
    %add3A_33 = arith.constant 2 : i32
    %add3A_34 = arith.addi %mul3A_32, %add3A_33 : i32
    %min3A_35 = arith.constant 3199 : i32
    %min3A_36 = arith.minsi %add3A_34, %min3A_35 : i32
    %dma_start3A_37 = arith.constant 2 : i32
    %dma_start3A_38 = arith.constant 0 : i32
    %dma_start3A_39 = tpu.memref_slice %arg5[%dma_start3A_37, %dma_start3A_38] : memref<4x1024xi32, #tpu.memory_space<vmem>> -> memref<1x1024xi32, #tpu.memory_space<vmem>>
    %dma_start3A_40 = arith.constant 0 : i32
    %dma_start3A_41 = tpu.memref_slice %arg2[%min3A_36, %dma_start3A_40] : memref<3200x1024xi32, #tpu.memory_space<hbm>> -> memref<1x1024xi32, #tpu.memory_space<hbm>>
    %dma_start3A_42 = arith.constant 2 : i32
    %dma_start3A_43 = arith.constant 0 : i32
    %dma_start3A_44 = tpu.memref_slice %arg5[%dma_start3A_42, %dma_start3A_43] : memref<4x1024xi32, #tpu.memory_space<vmem>> -> memref<1x1024xi32, #tpu.memory_space<vmem>>
    %dma_start3A_45 = arith.constant 0 : i32
    %dma_start3A_46 = tpu.memref_slice %arg2[%min3A_36, %dma_start3A_45] : memref<3200x1024xi32, #tpu.memory_space<hbm>> -> memref<1x1024xi32, #tpu.memory_space<hbm>>
    tpu.enqueue_dma source(%dma_start3A_46 : memref<1x1024xi32, #tpu.memory_space<hbm>>) target(%dma_start3A_44 : memref<1x1024xi32, #tpu.memory_space<vmem>>) target_semaphore(%arg9 : memref<!tpu.dma_semaphore, #tpu.memory_space<semaphore_mem>>)
    %mul3A_47 = arith.constant 100 : i32
    %mul3A_48 = arith.muli %add3A, %mul3A_47 : i32
    %add3A_49 = arith.constant 3 : i32
    %add3A_50 = arith.addi %mul3A_48, %add3A_49 : i32
    %min3A_51 = arith.constant 3199 : i32
    %min3A_52 = arith.minsi %add3A_50, %min3A_51 : i32
    %dma_start3A_53 = arith.constant 3 : i32
    %dma_start3A_54 = arith.constant 0 : i32
    %dma_start3A_55 = tpu.memref_slice %arg5[%dma_start3A_53, %dma_start3A_54] : memref<4x1024xi32, #tpu.memory_space<vmem>> -> memref<1x1024xi32, #tpu.memory_space<vmem>>
    %dma_start3A_56 = arith.constant 0 : i32
    %dma_start3A_57 = tpu.memref_slice %arg2[%min3A_52, %dma_start3A_56] : memref<3200x1024xi32, #tpu.memory_space<hbm>> -> memref<1x1024xi32, #tpu.memory_space<hbm>>
    %dma_start3A_58 = arith.constant 3 : i32
    %dma_start3A_59 = arith.constant 0 : i32
    %dma_start3A_60 = tpu.memref_slice %arg5[%dma_start3A_58, %dma_start3A_59] : memref<4x1024xi32, #tpu.memory_space<vmem>> -> memref<1x1024xi32, #tpu.memory_space<vmem>>
    %dma_start3A_61 = arith.constant 0 : i32
    %dma_start3A_62 = tpu.memref_slice %arg2[%min3A_52, %dma_start3A_61] : memref<3200x1024xi32, #tpu.memory_space<hbm>> -> memref<1x1024xi32, #tpu.memory_space<hbm>>
    tpu.enqueue_dma source(%dma_start3A_62 : memref<1x1024xi32, #tpu.memory_space<hbm>>) target(%dma_start3A_60 : memref<1x1024xi32, #tpu.memory_space<vmem>>) target_semaphore(%arg10 : memref<!tpu.dma_semaphore, #tpu.memory_space<semaphore_mem>>)
    %mul3A_63 = arith.constant 100 : i32
    %mul3A_64 = arith.muli %add3A, %mul3A_63 : i32
    %add3A_65 = arith.constant 0 : i32
    %add3A_66 = arith.addi %mul3A_64, %add3A_65 : i32
    %min3A_67 = arith.constant 3199 : i32
    %min3A_68 = arith.minsi %add3A_66, %min3A_67 : i32
    %dma_wait3A = arith.constant 0 : i32
    %dma_wait3A_69 = arith.constant 0 : i32
    %dma_wait3A_70 = tpu.memref_slice %arg5[%dma_wait3A, %dma_wait3A_69] : memref<4x1024xi32, #tpu.memory_space<vmem>> -> memref<1x1024xi32, #tpu.memory_space<vmem>>
    %dma_wait3A_71 = arith.constant 0 : i32
    %dma_wait3A_72 = tpu.memref_slice %arg2[%min3A_68, %dma_wait3A_71] : memref<3200x1024xi32, #tpu.memory_space<hbm>> -> memref<1x1024xi32, #tpu.memory_space<hbm>>
    %dma_wait3A_73 = arith.constant 0 : i32
    %dma_wait3A_74 = arith.constant 0 : i32
    %dma_wait3A_75 = tpu.memref_slice %arg5[%dma_wait3A_73, %dma_wait3A_74] : memref<4x1024xi32, #tpu.memory_space<vmem>> -> memref<1x1024xi32, #tpu.memory_space<vmem>>
    %dma_wait3A_76 = arith.constant 0 : i32
    %dma_wait3A_77 = tpu.memref_slice %arg2[%min3A_68, %dma_wait3A_76] : memref<3200x1024xi32, #tpu.memory_space<hbm>> -> memref<1x1024xi32, #tpu.memory_space<hbm>>
    tpu.wait_dma2 semaphore(%arg7 : memref<!tpu.dma_semaphore, #tpu.memory_space<semaphore_mem>>) src(%dma_wait3A_77 : memref<1x1024xi32, #tpu.memory_space<hbm>>) dst(%dma_wait3A_75 : memref<1x1024xi32, #tpu.memory_space<vmem>>)
    %dma_start3A_78 = arith.constant 0 : i32
    %dma_start3A_79 = arith.constant 0 : i32
    %dma_start3A_80 = arith.constant 0 : i32
    %dma_start3A_81 = tpu.memref_slice %arg6[%dma_start3A_79, %dma_start3A_80] : memref<4096x16xf32, #tpu.memory_space<vmem>> -> memref<1024x16xf32, #tpu.memory_space<vmem>>
    %dma_start3A_82 = arith.constant 0 : i32
    %dma_start3A_83 = tpu.memref_slice %arg5[%dma_start3A_78, %dma_start3A_82] : memref<4x1024xi32, #tpu.memory_space<vmem>> -> memref<1x1024xi32, #tpu.memory_space<vmem>>
    %dma_start3A_84 = tpu.memref_squeeze %dma_start3A_83 : memref<1x1024xi32, #tpu.memory_space<vmem>> -> memref<1024xi32, #tpu.memory_space<vmem>>
    %dma_start3A_85 = arith.constant 0 : i32
    %dma_start3A_86 = arith.constant 0 : i32
    %dma_start3A_87 = tpu.memref_slice %arg3[%dma_start3A_85, %dma_start3A_86] : memref<1000000x16xf32, #tpu.memory_space<hbm>> -> memref<1000000x16xf32, #tpu.memory_space<hbm>>
    tpu.enqueue_indirect_dma source(%dma_start3A_87 : memref<1000000x16xf32, #tpu.memory_space<hbm>>) target(%dma_start3A_81 : memref<1024x16xf32, #tpu.memory_space<vmem>>) offsets(%dma_start3A_84 : memref<1024xi32, #tpu.memory_space<vmem>>) semaphore(%arg11 : memref<!tpu.dma_semaphore, #tpu.memory_space<semaphore_mem>>)
    %mul3A_88 = arith.constant 100 : i32
    %mul3A_89 = arith.muli %add3A, %mul3A_88 : i32
    %add3A_90 = arith.constant 1 : i32
    %add3A_91 = arith.addi %mul3A_89, %add3A_90 : i32
    %min3A_92 = arith.constant 3199 : i32
    %min3A_93 = arith.minsi %add3A_91, %min3A_92 : i32
    %dma_wait3A_94 = arith.constant 1 : i32
    %dma_wait3A_95 = arith.constant 0 : i32
    %dma_wait3A_96 = tpu.memref_slice %arg5[%dma_wait3A_94, %dma_wait3A_95] : memref<4x1024xi32, #tpu.memory_space<vmem>> -> memref<1x1024xi32, #tpu.memory_space<vmem>>
    %dma_wait3A_97 = arith.constant 0 : i32
    %dma_wait3A_98 = tpu.memref_slice %arg2[%min3A_93, %dma_wait3A_97] : memref<3200x1024xi32, #tpu.memory_space<hbm>> -> memref<1x1024xi32, #tpu.memory_space<hbm>>
    %dma_wait3A_99 = arith.constant 1 : i32
    %dma_wait3A_100 = arith.constant 0 : i32
    %dma_wait3A_101 = tpu.memref_slice %arg5[%dma_wait3A_99, %dma_wait3A_100] : memref<4x1024xi32, #tpu.memory_space<vmem>> -> memref<1x1024xi32, #tpu.memory_space<vmem>>
    %dma_wait3A_102 = arith.constant 0 : i32
    %dma_wait3A_103 = tpu.memref_slice %arg2[%min3A_93, %dma_wait3A_102] : memref<3200x1024xi32, #tpu.memory_space<hbm>> -> memref<1x1024xi32, #tpu.memory_space<hbm>>
    tpu.wait_dma2 semaphore(%arg8 : memref<!tpu.dma_semaphore, #tpu.memory_space<semaphore_mem>>) src(%dma_wait3A_103 : memref<1x1024xi32, #tpu.memory_space<hbm>>) dst(%dma_wait3A_101 : memref<1x1024xi32, #tpu.memory_space<vmem>>)
    %dma_start3A_104 = arith.constant 1 : i32
    %dma_start3A_105 = arith.constant 1024 : i32
    %dma_start3A_106 = arith.constant 0 : i32
    %dma_start3A_107 = tpu.memref_slice %arg6[%dma_start3A_105, %dma_start3A_106] : memref<4096x16xf32, #tpu.memory_space<vmem>> -> memref<1024x16xf32, #tpu.memory_space<vmem>>
    %dma_start3A_108 = arith.constant 0 : i32
    %dma_start3A_109 = tpu.memref_slice %arg5[%dma_start3A_104, %dma_start3A_108] : memref<4x1024xi32, #tpu.memory_space<vmem>> -> memref<1x1024xi32, #tpu.memory_space<vmem>>
    %dma_start3A_110 = tpu.memref_squeeze %dma_start3A_109 : memref<1x1024xi32, #tpu.memory_space<vmem>> -> memref<1024xi32, #tpu.memory_space<vmem>>
    %dma_start3A_111 = arith.constant 0 : i32
    %dma_start3A_112 = arith.constant 0 : i32
    %dma_start3A_113 = tpu.memref_slice %arg3[%dma_start3A_111, %dma_start3A_112] : memref<1000000x16xf32, #tpu.memory_space<hbm>> -> memref<1000000x16xf32, #tpu.memory_space<hbm>>
    tpu.enqueue_indirect_dma source(%dma_start3A_113 : memref<1000000x16xf32, #tpu.memory_space<hbm>>) target(%dma_start3A_107 : memref<1024x16xf32, #tpu.memory_space<vmem>>) offsets(%dma_start3A_110 : memref<1024xi32, #tpu.memory_space<vmem>>) semaphore(%arg12 : memref<!tpu.dma_semaphore, #tpu.memory_space<semaphore_mem>>)
    %mul3A_114 = arith.constant 100 : i32
    %mul3A_115 = arith.muli %add3A, %mul3A_114 : i32
    %add3A_116 = arith.constant 2 : i32
    %add3A_117 = arith.addi %mul3A_115, %add3A_116 : i32
    %min3A_118 = arith.constant 3199 : i32
    %min3A_119 = arith.minsi %add3A_117, %min3A_118 : i32
    %dma_wait3A_120 = arith.constant 2 : i32
    %dma_wait3A_121 = arith.constant 0 : i32
    %dma_wait3A_122 = tpu.memref_slice %arg5[%dma_wait3A_120, %dma_wait3A_121] : memref<4x1024xi32, #tpu.memory_space<vmem>> -> memref<1x1024xi32, #tpu.memory_space<vmem>>
    %dma_wait3A_123 = arith.constant 0 : i32
    %dma_wait3A_124 = tpu.memref_slice %arg2[%min3A_119, %dma_wait3A_123] : memref<3200x1024xi32, #tpu.memory_space<hbm>> -> memref<1x1024xi32, #tpu.memory_space<hbm>>
    %dma_wait3A_125 = arith.constant 2 : i32
    %dma_wait3A_126 = arith.constant 0 : i32
    %dma_wait3A_127 = tpu.memref_slice %arg5[%dma_wait3A_125, %dma_wait3A_126] : memref<4x1024xi32, #tpu.memory_space<vmem>> -> memref<1x1024xi32, #tpu.memory_space<vmem>>
    %dma_wait3A_128 = arith.constant 0 : i32
    %dma_wait3A_129 = tpu.memref_slice %arg2[%min3A_119, %dma_wait3A_128] : memref<3200x1024xi32, #tpu.memory_space<hbm>> -> memref<1x1024xi32, #tpu.memory_space<hbm>>
    tpu.wait_dma2 semaphore(%arg9 : memref<!tpu.dma_semaphore, #tpu.memory_space<semaphore_mem>>) src(%dma_wait3A_129 : memref<1x1024xi32, #tpu.memory_space<hbm>>) dst(%dma_wait3A_127 : memref<1x1024xi32, #tpu.memory_space<vmem>>)
    %dma_start3A_130 = arith.constant 2 : i32
    %dma_start3A_131 = arith.constant 2048 : i32
    %dma_start3A_132 = arith.constant 0 : i32
    %dma_start3A_133 = tpu.memref_slice %arg6[%dma_start3A_131, %dma_start3A_132] : memref<4096x16xf32, #tpu.memory_space<vmem>> -> memref<1024x16xf32, #tpu.memory_space<vmem>>
    %dma_start3A_134 = arith.constant 0 : i32
    %dma_start3A_135 = tpu.memref_slice %arg5[%dma_start3A_130, %dma_start3A_134] : memref<4x1024xi32, #tpu.memory_space<vmem>> -> memref<1x1024xi32, #tpu.memory_space<vmem>>
    %dma_start3A_136 = tpu.memref_squeeze %dma_start3A_135 : memref<1x1024xi32, #tpu.memory_space<vmem>> -> memref<1024xi32, #tpu.memory_space<vmem>>
    %dma_start3A_137 = arith.constant 0 : i32
    %dma_start3A_138 = arith.constant 0 : i32
    %dma_start3A_139 = tpu.memref_slice %arg3[%dma_start3A_137, %dma_start3A_138] : memref<1000000x16xf32, #tpu.memory_space<hbm>> -> memref<1000000x16xf32, #tpu.memory_space<hbm>>
    tpu.enqueue_indirect_dma source(%dma_start3A_139 : memref<1000000x16xf32, #tpu.memory_space<hbm>>) target(%dma_start3A_133 : memref<1024x16xf32, #tpu.memory_space<vmem>>) offsets(%dma_start3A_136 : memref<1024xi32, #tpu.memory_space<vmem>>) semaphore(%arg13 : memref<!tpu.dma_semaphore, #tpu.memory_space<semaphore_mem>>)
    %dma_wait3A_140 = arith.constant 0 : i32
    %dma_wait3A_141 = arith.constant 0 : i32
    %dma_wait3A_142 = arith.constant 0 : i32
    %dma_wait3A_143 = tpu.memref_slice %arg6[%dma_wait3A_141, %dma_wait3A_142] : memref<4096x16xf32, #tpu.memory_space<vmem>> -> memref<1024x16xf32, #tpu.memory_space<vmem>>
    %dma_wait3A_144 = arith.constant 0 : i32
    %dma_wait3A_145 = tpu.memref_slice %arg5[%dma_wait3A_140, %dma_wait3A_144] : memref<4x1024xi32, #tpu.memory_space<vmem>> -> memref<1x1024xi32, #tpu.memory_space<vmem>>
    %dma_wait3A_146 = tpu.memref_squeeze %dma_wait3A_145 : memref<1x1024xi32, #tpu.memory_space<vmem>> -> memref<1024xi32, #tpu.memory_space<vmem>>
    %dma_wait3A_147 = arith.constant 0 : i32
    %dma_wait3A_148 = arith.constant 0 : i32
    %dma_wait3A_149 = tpu.memref_slice %arg3[%dma_wait3A_147, %dma_wait3A_148] : memref<1000000x16xf32, #tpu.memory_space<hbm>> -> memref<1000000x16xf32, #tpu.memory_space<hbm>>
    tpu.wait_indirect_dma semaphore(%arg11 : memref<!tpu.dma_semaphore, #tpu.memory_space<semaphore_mem>>) src(%dma_wait3A_149 : memref<1000000x16xf32, #tpu.memory_space<hbm>>) dst(%dma_wait3A_143 : memref<1024x16xf32, #tpu.memory_space<vmem>>)
    %mul3A_150 = arith.constant 100 : i32
    %mul3A_151 = arith.muli %add3A, %mul3A_150 : i32
    %add3A_152 = arith.constant 0 : i32
    %add3A_153 = arith.addi %mul3A_151, %add3A_152 : i32
    %mul3A_154 = arith.constant 1024 : i32
    %mul3A_155 = arith.muli %add3A_153, %mul3A_154 : i32
    %multiple_of3A = tpu.assume_multiple %mul3A_155, 1024 : i32
    %dma_start3A_156 = arith.constant 0 : i32
    %dma_start3A_157 = arith.constant 0 : i32
    %dma_start3A_158 = tpu.memref_slice %arg6[%dma_start3A_156, %dma_start3A_157] : memref<4096x16xf32, #tpu.memory_space<vmem>> -> memref<1024x16xf32, #tpu.memory_space<vmem>>
    %dma_start3A_159 = arith.constant 0 : i32
    %dma_start3A_160 = tpu.memref_slice %arg4[%multiple_of3A, %dma_start3A_159] : memref<3276800x16xf32, #tpu.memory_space<hbm>> -> memref<1024x16xf32, #tpu.memory_space<hbm>>
    %dma_start3A_161 = arith.constant 0 : i32
    %dma_start3A_162 = tpu.memref_slice %arg4[%multiple_of3A, %dma_start3A_161] : memref<3276800x16xf32, #tpu.memory_space<hbm>> -> memref<1024x16xf32, #tpu.memory_space<hbm>>
    %dma_start3A_163 = arith.constant 0 : i32
    %dma_start3A_164 = arith.constant 0 : i32
    %dma_start3A_165 = tpu.memref_slice %arg6[%dma_start3A_163, %dma_start3A_164] : memref<4096x16xf32, #tpu.memory_space<vmem>> -> memref<1024x16xf32, #tpu.memory_space<vmem>>
    tpu.enqueue_dma source(%dma_start3A_165 : memref<1024x16xf32, #tpu.memory_space<vmem>>) target(%dma_start3A_162 : memref<1024x16xf32, #tpu.memory_space<hbm>>) target_semaphore(%arg15 : memref<!tpu.dma_semaphore, #tpu.memory_space<semaphore_mem>>)
    %mul3A_166 = arith.constant 100 : i32
    %mul3A_167 = arith.muli %add3A, %mul3A_166 : i32
    %add3A_168 = arith.constant 4 : i32
    %add3A_169 = arith.addi %mul3A_167, %add3A_168 : i32
    %min3A_170 = arith.constant 3199 : i32
    %min3A_171 = arith.minsi %add3A_169, %min3A_170 : i32
    %dma_start3A_172 = arith.constant 0 : i32
    %dma_start3A_173 = arith.constant 0 : i32
    %dma_start3A_174 = tpu.memref_slice %arg5[%dma_start3A_172, %dma_start3A_173] : memref<4x1024xi32, #tpu.memory_space<vmem>> -> memref<1x1024xi32, #tpu.memory_space<vmem>>
    %dma_start3A_175 = arith.constant 0 : i32
    %dma_start3A_176 = tpu.memref_slice %arg2[%min3A_171, %dma_start3A_175] : memref<3200x1024xi32, #tpu.memory_space<hbm>> -> memref<1x1024xi32, #tpu.memory_space<hbm>>
    %dma_start3A_177 = arith.constant 0 : i32
    %dma_start3A_178 = arith.constant 0 : i32
    %dma_start3A_179 = tpu.memref_slice %arg5[%dma_start3A_177, %dma_start3A_178] : memref<4x1024xi32, #tpu.memory_space<vmem>> -> memref<1x1024xi32, #tpu.memory_space<vmem>>
    %dma_start3A_180 = arith.constant 0 : i32
    %dma_start3A_181 = tpu.memref_slice %arg2[%min3A_171, %dma_start3A_180] : memref<3200x1024xi32, #tpu.memory_space<hbm>> -> memref<1x1024xi32, #tpu.memory_space<hbm>>
    tpu.enqueue_dma source(%dma_start3A_181 : memref<1x1024xi32, #tpu.memory_space<hbm>>) target(%dma_start3A_179 : memref<1x1024xi32, #tpu.memory_space<vmem>>) target_semaphore(%arg7 : memref<!tpu.dma_semaphore, #tpu.memory_space<semaphore_mem>>)
    %mul3A_182 = arith.constant 100 : i32
    %mul3A_183 = arith.muli %add3A, %mul3A_182 : i32
    %add3A_184 = arith.constant 3 : i32
    %add3A_185 = arith.addi %mul3A_183, %add3A_184 : i32
    %min3A_186 = arith.constant 3199 : i32
    %min3A_187 = arith.minsi %add3A_185, %min3A_186 : i32
    %dma_wait3A_188 = arith.constant 3 : i32
    %dma_wait3A_189 = arith.constant 0 : i32
    %dma_wait3A_190 = tpu.memref_slice %arg5[%dma_wait3A_188, %dma_wait3A_189] : memref<4x1024xi32, #tpu.memory_space<vmem>> -> memref<1x1024xi32, #tpu.memory_space<vmem>>
    %dma_wait3A_191 = arith.constant 0 : i32
    %dma_wait3A_192 = tpu.memref_slice %arg2[%min3A_187, %dma_wait3A_191] : memref<3200x1024xi32, #tpu.memory_space<hbm>> -> memref<1x1024xi32, #tpu.memory_space<hbm>>
    %dma_wait3A_193 = arith.constant 3 : i32
    %dma_wait3A_194 = arith.constant 0 : i32
    %dma_wait3A_195 = tpu.memref_slice %arg5[%dma_wait3A_193, %dma_wait3A_194] : memref<4x1024xi32, #tpu.memory_space<vmem>> -> memref<1x1024xi32, #tpu.memory_space<vmem>>
    %dma_wait3A_196 = arith.constant 0 : i32
    %dma_wait3A_197 = tpu.memref_slice %arg2[%min3A_187, %dma_wait3A_196] : memref<3200x1024xi32, #tpu.memory_space<hbm>> -> memref<1x1024xi32, #tpu.memory_space<hbm>>
    tpu.wait_dma2 semaphore(%arg10 : memref<!tpu.dma_semaphore, #tpu.memory_space<semaphore_mem>>) src(%dma_wait3A_197 : memref<1x1024xi32, #tpu.memory_space<hbm>>) dst(%dma_wait3A_195 : memref<1x1024xi32, #tpu.memory_space<vmem>>)
    %dma_start3A_198 = arith.constant 3 : i32
    %dma_start3A_199 = arith.constant 3072 : i32
    %dma_start3A_200 = arith.constant 0 : i32
    %dma_start3A_201 = tpu.memref_slice %arg6[%dma_start3A_199, %dma_start3A_200] : memref<4096x16xf32, #tpu.memory_space<vmem>> -> memref<1024x16xf32, #tpu.memory_space<vmem>>
    %dma_start3A_202 = arith.constant 0 : i32
    %dma_start3A_203 = tpu.memref_slice %arg5[%dma_start3A_198, %dma_start3A_202] : memref<4x1024xi32, #tpu.memory_space<vmem>> -> memref<1x1024xi32, #tpu.memory_space<vmem>>
    %dma_start3A_204 = tpu.memref_squeeze %dma_start3A_203 : memref<1x1024xi32, #tpu.memory_space<vmem>> -> memref<1024xi32, #tpu.memory_space<vmem>>
    %dma_start3A_205 = arith.constant 0 : i32
    %dma_start3A_206 = arith.constant 0 : i32
    %dma_start3A_207 = tpu.memref_slice %arg3[%dma_start3A_205, %dma_start3A_206] : memref<1000000x16xf32, #tpu.memory_space<hbm>> -> memref<1000000x16xf32, #tpu.memory_space<hbm>>
    tpu.enqueue_indirect_dma source(%dma_start3A_207 : memref<1000000x16xf32, #tpu.memory_space<hbm>>) target(%dma_start3A_201 : memref<1024x16xf32, #tpu.memory_space<vmem>>) offsets(%dma_start3A_204 : memref<1024xi32, #tpu.memory_space<vmem>>) semaphore(%arg14 : memref<!tpu.dma_semaphore, #tpu.memory_space<semaphore_mem>>)
    %dma_wait3A_208 = arith.constant 1 : i32
    %dma_wait3A_209 = arith.constant 1024 : i32
    %dma_wait3A_210 = arith.constant 0 : i32
    %dma_wait3A_211 = tpu.memref_slice %arg6[%dma_wait3A_209, %dma_wait3A_210] : memref<4096x16xf32, #tpu.memory_space<vmem>> -> memref<1024x16xf32, #tpu.memory_space<vmem>>
    %dma_wait3A_212 = arith.constant 0 : i32
    %dma_wait3A_213 = tpu.memref_slice %arg5[%dma_wait3A_208, %dma_wait3A_212] : memref<4x1024xi32, #tpu.memory_space<vmem>> -> memref<1x1024xi32, #tpu.memory_space<vmem>>
    %dma_wait3A_214 = tpu.memref_squeeze %dma_wait3A_213 : memref<1x1024xi32, #tpu.memory_space<vmem>> -> memref<1024xi32, #tpu.memory_space<vmem>>
    %dma_wait3A_215 = arith.constant 0 : i32
    %dma_wait3A_216 = arith.constant 0 : i32
    %dma_wait3A_217 = tpu.memref_slice %arg3[%dma_wait3A_215, %dma_wait3A_216] : memref<1000000x16xf32, #tpu.memory_space<hbm>> -> memref<1000000x16xf32, #tpu.memory_space<hbm>>
    tpu.wait_indirect_dma semaphore(%arg12 : memref<!tpu.dma_semaphore, #tpu.memory_space<semaphore_mem>>) src(%dma_wait3A_217 : memref<1000000x16xf32, #tpu.memory_space<hbm>>) dst(%dma_wait3A_211 : memref<1024x16xf32, #tpu.memory_space<vmem>>)
    %mul3A_218 = arith.constant 100 : i32
    %mul3A_219 = arith.muli %add3A, %mul3A_218 : i32
    %add3A_220 = arith.constant 1 : i32
    %add3A_221 = arith.addi %mul3A_219, %add3A_220 : i32
    %mul3A_222 = arith.constant 1024 : i32
    %mul3A_223 = arith.muli %add3A_221, %mul3A_222 : i32
    %multiple_of3A_224 = tpu.assume_multiple %mul3A_223, 1024 : i32
    %dma_start3A_225 = arith.constant 1024 : i32
    %dma_start3A_226 = arith.constant 0 : i32
    %dma_start3A_227 = tpu.memref_slice %arg6[%dma_start3A_225, %dma_start3A_226] : memref<4096x16xf32, #tpu.memory_space<vmem>> -> memref<1024x16xf32, #tpu.memory_space<vmem>>
    %dma_start3A_228 = arith.constant 0 : i32
    %dma_start3A_229 = tpu.memref_slice %arg4[%multiple_of3A_224, %dma_start3A_228] : memref<3276800x16xf32, #tpu.memory_space<hbm>> -> memref<1024x16xf32, #tpu.memory_space<hbm>>
    %dma_start3A_230 = arith.constant 0 : i32
    %dma_start3A_231 = tpu.memref_slice %arg4[%multiple_of3A_224, %dma_start3A_230] : memref<3276800x16xf32, #tpu.memory_space<hbm>> -> memref<1024x16xf32, #tpu.memory_space<hbm>>
    %dma_start3A_232 = arith.constant 1024 : i32
    %dma_start3A_233 = arith.constant 0 : i32
    %dma_start3A_234 = tpu.memref_slice %arg6[%dma_start3A_232, %dma_start3A_233] : memref<4096x16xf32, #tpu.memory_space<vmem>> -> memref<1024x16xf32, #tpu.memory_space<vmem>>
    tpu.enqueue_dma source(%dma_start3A_234 : memref<1024x16xf32, #tpu.memory_space<vmem>>) target(%dma_start3A_231 : memref<1024x16xf32, #tpu.memory_space<hbm>>) target_semaphore(%arg16 : memref<!tpu.dma_semaphore, #tpu.memory_space<semaphore_mem>>)
    %mul3A_235 = arith.constant 100 : i32
    %mul3A_236 = arith.muli %add3A, %mul3A_235 : i32
    %add3A_237 = arith.constant 5 : i32
    %add3A_238 = arith.addi %mul3A_236, %add3A_237 : i32
    %min3A_239 = arith.constant 3199 : i32
    %min3A_240 = arith.minsi %add3A_238, %min3A_239 : i32
    %dma_start3A_241 = arith.constant 1 : i32
    %dma_start3A_242 = arith.constant 0 : i32
    %dma_start3A_243 = tpu.memref_slice %arg5[%dma_start3A_241, %dma_start3A_242] : memref<4x1024xi32, #tpu.memory_space<vmem>> -> memref<1x1024xi32, #tpu.memory_space<vmem>>
    %dma_start3A_244 = arith.constant 0 : i32
    %dma_start3A_245 = tpu.memref_slice %arg2[%min3A_240, %dma_start3A_244] : memref<3200x1024xi32, #tpu.memory_space<hbm>> -> memref<1x1024xi32, #tpu.memory_space<hbm>>
    %dma_start3A_246 = arith.constant 1 : i32
    %dma_start3A_247 = arith.constant 0 : i32
    %dma_start3A_248 = tpu.memref_slice %arg5[%dma_start3A_246, %dma_start3A_247] : memref<4x1024xi32, #tpu.memory_space<vmem>> -> memref<1x1024xi32, #tpu.memory_space<vmem>>
    %dma_start3A_249 = arith.constant 0 : i32
    %dma_start3A_250 = tpu.memref_slice %arg2[%min3A_240, %dma_start3A_249] : memref<3200x1024xi32, #tpu.memory_space<hbm>> -> memref<1x1024xi32, #tpu.memory_space<hbm>>
    tpu.enqueue_dma source(%dma_start3A_250 : memref<1x1024xi32, #tpu.memory_space<hbm>>) target(%dma_start3A_248 : memref<1x1024xi32, #tpu.memory_space<vmem>>) target_semaphore(%arg8 : memref<!tpu.dma_semaphore, #tpu.memory_space<semaphore_mem>>)
    %scan3A = arith.constant 0 : i32
    %scan3A_251 = arith.constant 1 : i32
    %scan3A_252 = arith.constant 24 : i32
    %scan3A_253 = arith.addi %scan3A_251, %scan3A_252 : i32
    %scan3A_254 = arith.constant 1 : i32
    scf.for %scan3A_410 = %scan3A_251 to %scan3A_253 step %scan3A_254  : i32 {
      %mul3A_411 = arith.constant 4 : i32
      %mul3A_412 = arith.muli %scan3A_410, %mul3A_411 : i32
      %add3A_413 = arith.constant 0 : i32
      %add3A_414 = arith.addi %mul3A_412, %add3A_413 : i32
      %mul3A_415 = arith.constant 100 : i32
      %mul3A_416 = arith.muli %add3A, %mul3A_415 : i32
      %add3A_417 = arith.addi %mul3A_416, %add3A_414 : i32
      %mul3A_418 = arith.constant 1024 : i32
      %mul3A_419 = arith.muli %add3A_417, %mul3A_418 : i32
      %multiple_of3A_420 = tpu.assume_multiple %mul3A_419, 1024 : i32
      %dma_wait3A_421 = arith.constant 0 : i32
      %dma_wait3A_422 = arith.constant 0 : i32
      %dma_wait3A_423 = tpu.memref_slice %arg6[%dma_wait3A_421, %dma_wait3A_422] : memref<4096x16xf32, #tpu.memory_space<vmem>> -> memref<1024x16xf32, #tpu.memory_space<vmem>>
      %dma_wait3A_424 = arith.constant 0 : i32
      %dma_wait3A_425 = tpu.memref_slice %arg4[%multiple_of3A_420, %dma_wait3A_424] : memref<3276800x16xf32, #tpu.memory_space<hbm>> -> memref<1024x16xf32, #tpu.memory_space<hbm>>
      %dma_wait3A_426 = arith.constant 0 : i32
      %dma_wait3A_427 = tpu.memref_slice %arg4[%multiple_of3A_420, %dma_wait3A_426] : memref<3276800x16xf32, #tpu.memory_space<hbm>> -> memref<1024x16xf32, #tpu.memory_space<hbm>>
      %dma_wait3A_428 = arith.constant 0 : i32
      %dma_wait3A_429 = arith.constant 0 : i32
      %dma_wait3A_430 = tpu.memref_slice %arg6[%dma_wait3A_428, %dma_wait3A_429] : memref<4096x16xf32, #tpu.memory_space<vmem>> -> memref<1024x16xf32, #tpu.memory_space<vmem>>
      tpu.wait_dma2 semaphore(%arg15 : memref<!tpu.dma_semaphore, #tpu.memory_space<semaphore_mem>>) src(%dma_wait3A_430 : memref<1024x16xf32, #tpu.memory_space<vmem>>) dst(%dma_wait3A_427 : memref<1024x16xf32, #tpu.memory_space<hbm>>)
      %mul3A_431 = arith.constant 100 : i32
      %mul3A_432 = arith.muli %add3A, %mul3A_431 : i32
      %add3A_433 = arith.addi %mul3A_432, %add3A_414 : i32
      %min3A_434 = arith.constant 3199 : i32
      %min3A_435 = arith.minsi %add3A_433, %min3A_434 : i32
      %dma_wait3A_436 = arith.constant 0 : i32
      %dma_wait3A_437 = arith.constant 0 : i32
      %dma_wait3A_438 = tpu.memref_slice %arg5[%dma_wait3A_436, %dma_wait3A_437] : memref<4x1024xi32, #tpu.memory_space<vmem>> -> memref<1x1024xi32, #tpu.memory_space<vmem>>
      %dma_wait3A_439 = arith.constant 0 : i32
      %dma_wait3A_440 = tpu.memref_slice %arg2[%min3A_435, %dma_wait3A_439] : memref<3200x1024xi32, #tpu.memory_space<hbm>> -> memref<1x1024xi32, #tpu.memory_space<hbm>>
      %dma_wait3A_441 = arith.constant 0 : i32
      %dma_wait3A_442 = arith.constant 0 : i32
      %dma_wait3A_443 = tpu.memref_slice %arg5[%dma_wait3A_441, %dma_wait3A_442] : memref<4x1024xi32, #tpu.memory_space<vmem>> -> memref<1x1024xi32, #tpu.memory_space<vmem>>
      %dma_wait3A_444 = arith.constant 0 : i32
      %dma_wait3A_445 = tpu.memref_slice %arg2[%min3A_435, %dma_wait3A_444] : memref<3200x1024xi32, #tpu.memory_space<hbm>> -> memref<1x1024xi32, #tpu.memory_space<hbm>>
      tpu.wait_dma2 semaphore(%arg7 : memref<!tpu.dma_semaphore, #tpu.memory_space<semaphore_mem>>) src(%dma_wait3A_445 : memref<1x1024xi32, #tpu.memory_space<hbm>>) dst(%dma_wait3A_443 : memref<1x1024xi32, #tpu.memory_space<vmem>>)
      %dma_start3A_446 = arith.constant 0 : i32
      %dma_start3A_447 = arith.constant 0 : i32
      %dma_start3A_448 = arith.constant 0 : i32
      %dma_start3A_449 = tpu.memref_slice %arg6[%dma_start3A_447, %dma_start3A_448] : memref<4096x16xf32, #tpu.memory_space<vmem>> -> memref<1024x16xf32, #tpu.memory_space<vmem>>
      %dma_start3A_450 = arith.constant 0 : i32
      %dma_start3A_451 = tpu.memref_slice %arg5[%dma_start3A_446, %dma_start3A_450] : memref<4x1024xi32, #tpu.memory_space<vmem>> -> memref<1x1024xi32, #tpu.memory_space<vmem>>
      %dma_start3A_452 = tpu.memref_squeeze %dma_start3A_451 : memref<1x1024xi32, #tpu.memory_space<vmem>> -> memref<1024xi32, #tpu.memory_space<vmem>>
      %dma_start3A_453 = arith.constant 0 : i32
      %dma_start3A_454 = arith.constant 0 : i32
      %dma_start3A_455 = tpu.memref_slice %arg3[%dma_start3A_453, %dma_start3A_454] : memref<1000000x16xf32, #tpu.memory_space<hbm>> -> memref<1000000x16xf32, #tpu.memory_space<hbm>>
      tpu.enqueue_indirect_dma source(%dma_start3A_455 : memref<1000000x16xf32, #tpu.memory_space<hbm>>) target(%dma_start3A_449 : memref<1024x16xf32, #tpu.memory_space<vmem>>) offsets(%dma_start3A_452 : memref<1024xi32, #tpu.memory_space<vmem>>) semaphore(%arg11 : memref<!tpu.dma_semaphore, #tpu.memory_space<semaphore_mem>>)
      %sub3A = arith.constant 2 : i32
      %sub3A_456 = arith.subi %add3A_414, %sub3A : i32
      %dma_wait3A_457 = arith.constant 2 : i32
      %dma_wait3A_458 = arith.constant 2048 : i32
      %dma_wait3A_459 = arith.constant 0 : i32
      %dma_wait3A_460 = tpu.memref_slice %arg6[%dma_wait3A_458, %dma_wait3A_459] : memref<4096x16xf32, #tpu.memory_space<vmem>> -> memref<1024x16xf32, #tpu.memory_space<vmem>>
      %dma_wait3A_461 = arith.constant 0 : i32
      %dma_wait3A_462 = tpu.memref_slice %arg5[%dma_wait3A_457, %dma_wait3A_461] : memref<4x1024xi32, #tpu.memory_space<vmem>> -> memref<1x1024xi32, #tpu.memory_space<vmem>>
      %dma_wait3A_463 = tpu.memref_squeeze %dma_wait3A_462 : memref<1x1024xi32, #tpu.memory_space<vmem>> -> memref<1024xi32, #tpu.memory_space<vmem>>
      %dma_wait3A_464 = arith.constant 0 : i32
      %dma_wait3A_465 = arith.constant 0 : i32
      %dma_wait3A_466 = tpu.memref_slice %arg3[%dma_wait3A_464, %dma_wait3A_465] : memref<1000000x16xf32, #tpu.memory_space<hbm>> -> memref<1000000x16xf32, #tpu.memory_space<hbm>>
      tpu.wait_indirect_dma semaphore(%arg13 : memref<!tpu.dma_semaphore, #tpu.memory_space<semaphore_mem>>) src(%dma_wait3A_466 : memref<1000000x16xf32, #tpu.memory_space<hbm>>) dst(%dma_wait3A_460 : memref<1024x16xf32, #tpu.memory_space<vmem>>)
      %mul3A_467 = arith.constant 100 : i32
      %mul3A_468 = arith.muli %add3A, %mul3A_467 : i32
      %add3A_469 = arith.addi %mul3A_468, %sub3A_456 : i32
      %mul3A_470 = arith.constant 1024 : i32
      %mul3A_471 = arith.muli %add3A_469, %mul3A_470 : i32
      %multiple_of3A_472 = tpu.assume_multiple %mul3A_471, 1024 : i32
      %dma_start3A_473 = arith.constant 2048 : i32
      %dma_start3A_474 = arith.constant 0 : i32
      %dma_start3A_475 = tpu.memref_slice %arg6[%dma_start3A_473, %dma_start3A_474] : memref<4096x16xf32, #tpu.memory_space<vmem>> -> memref<1024x16xf32, #tpu.memory_space<vmem>>
      %dma_start3A_476 = arith.constant 0 : i32
      %dma_start3A_477 = tpu.memref_slice %arg4[%multiple_of3A_472, %dma_start3A_476] : memref<3276800x16xf32, #tpu.memory_space<hbm>> -> memref<1024x16xf32, #tpu.memory_space<hbm>>
      %dma_start3A_478 = arith.constant 0 : i32
      %dma_start3A_479 = tpu.memref_slice %arg4[%multiple_of3A_472, %dma_start3A_478] : memref<3276800x16xf32, #tpu.memory_space<hbm>> -> memref<1024x16xf32, #tpu.memory_space<hbm>>
      %dma_start3A_480 = arith.constant 2048 : i32
      %dma_start3A_481 = arith.constant 0 : i32
      %dma_start3A_482 = tpu.memref_slice %arg6[%dma_start3A_480, %dma_start3A_481] : memref<4096x16xf32, #tpu.memory_space<vmem>> -> memref<1024x16xf32, #tpu.memory_space<vmem>>
      tpu.enqueue_dma source(%dma_start3A_482 : memref<1024x16xf32, #tpu.memory_space<vmem>>) target(%dma_start3A_479 : memref<1024x16xf32, #tpu.memory_space<hbm>>) target_semaphore(%arg17 : memref<!tpu.dma_semaphore, #tpu.memory_space<semaphore_mem>>)
      %add3A_483 = arith.constant 4 : i32
      %add3A_484 = arith.addi %sub3A_456, %add3A_483 : i32
      %mul3A_485 = arith.constant 100 : i32
      %mul3A_486 = arith.muli %add3A, %mul3A_485 : i32
      %add3A_487 = arith.addi %mul3A_486, %add3A_484 : i32
      %min3A_488 = arith.constant 3199 : i32
      %min3A_489 = arith.minsi %add3A_487, %min3A_488 : i32
      %dma_start3A_490 = arith.constant 2 : i32
      %dma_start3A_491 = arith.constant 0 : i32
      %dma_start3A_492 = tpu.memref_slice %arg5[%dma_start3A_490, %dma_start3A_491] : memref<4x1024xi32, #tpu.memory_space<vmem>> -> memref<1x1024xi32, #tpu.memory_space<vmem>>
      %dma_start3A_493 = arith.constant 0 : i32
      %dma_start3A_494 = tpu.memref_slice %arg2[%min3A_489, %dma_start3A_493] : memref<3200x1024xi32, #tpu.memory_space<hbm>> -> memref<1x1024xi32, #tpu.memory_space<hbm>>
      %dma_start3A_495 = arith.constant 2 : i32
      %dma_start3A_496 = arith.constant 0 : i32
      %dma_start3A_497 = tpu.memref_slice %arg5[%dma_start3A_495, %dma_start3A_496] : memref<4x1024xi32, #tpu.memory_space<vmem>> -> memref<1x1024xi32, #tpu.memory_space<vmem>>
      %dma_start3A_498 = arith.constant 0 : i32
      %dma_start3A_499 = tpu.memref_slice %arg2[%min3A_489, %dma_start3A_498] : memref<3200x1024xi32, #tpu.memory_space<hbm>> -> memref<1x1024xi32, #tpu.memory_space<hbm>>
      tpu.enqueue_dma source(%dma_start3A_499 : memref<1x1024xi32, #tpu.memory_space<hbm>>) target(%dma_start3A_497 : memref<1x1024xi32, #tpu.memory_space<vmem>>) target_semaphore(%arg9 : memref<!tpu.dma_semaphore, #tpu.memory_space<semaphore_mem>>)
      %mul3A_500 = arith.constant 4 : i32
      %mul3A_501 = arith.muli %scan3A_410, %mul3A_500 : i32
      %add3A_502 = arith.constant 1 : i32
      %add3A_503 = arith.addi %mul3A_501, %add3A_502 : i32
      %mul3A_504 = arith.constant 100 : i32
      %mul3A_505 = arith.muli %add3A, %mul3A_504 : i32
      %add3A_506 = arith.addi %mul3A_505, %add3A_503 : i32
      %mul3A_507 = arith.constant 1024 : i32
      %mul3A_508 = arith.muli %add3A_506, %mul3A_507 : i32
      %multiple_of3A_509 = tpu.assume_multiple %mul3A_508, 1024 : i32
      %dma_wait3A_510 = arith.constant 1024 : i32
      %dma_wait3A_511 = arith.constant 0 : i32
      %dma_wait3A_512 = tpu.memref_slice %arg6[%dma_wait3A_510, %dma_wait3A_511] : memref<4096x16xf32, #tpu.memory_space<vmem>> -> memref<1024x16xf32, #tpu.memory_space<vmem>>
      %dma_wait3A_513 = arith.constant 0 : i32
      %dma_wait3A_514 = tpu.memref_slice %arg4[%multiple_of3A_509, %dma_wait3A_513] : memref<3276800x16xf32, #tpu.memory_space<hbm>> -> memref<1024x16xf32, #tpu.memory_space<hbm>>
      %dma_wait3A_515 = arith.constant 0 : i32
      %dma_wait3A_516 = tpu.memref_slice %arg4[%multiple_of3A_509, %dma_wait3A_515] : memref<3276800x16xf32, #tpu.memory_space<hbm>> -> memref<1024x16xf32, #tpu.memory_space<hbm>>
      %dma_wait3A_517 = arith.constant 1024 : i32
      %dma_wait3A_518 = arith.constant 0 : i32
      %dma_wait3A_519 = tpu.memref_slice %arg6[%dma_wait3A_517, %dma_wait3A_518] : memref<4096x16xf32, #tpu.memory_space<vmem>> -> memref<1024x16xf32, #tpu.memory_space<vmem>>
      tpu.wait_dma2 semaphore(%arg16 : memref<!tpu.dma_semaphore, #tpu.memory_space<semaphore_mem>>) src(%dma_wait3A_519 : memref<1024x16xf32, #tpu.memory_space<vmem>>) dst(%dma_wait3A_516 : memref<1024x16xf32, #tpu.memory_space<hbm>>)
      %mul3A_520 = arith.constant 100 : i32
      %mul3A_521 = arith.muli %add3A, %mul3A_520 : i32
      %add3A_522 = arith.addi %mul3A_521, %add3A_503 : i32
      %min3A_523 = arith.constant 3199 : i32
      %min3A_524 = arith.minsi %add3A_522, %min3A_523 : i32
      %dma_wait3A_525 = arith.constant 1 : i32
      %dma_wait3A_526 = arith.constant 0 : i32
      %dma_wait3A_527 = tpu.memref_slice %arg5[%dma_wait3A_525, %dma_wait3A_526] : memref<4x1024xi32, #tpu.memory_space<vmem>> -> memref<1x1024xi32, #tpu.memory_space<vmem>>
      %dma_wait3A_528 = arith.constant 0 : i32
      %dma_wait3A_529 = tpu.memref_slice %arg2[%min3A_524, %dma_wait3A_528] : memref<3200x1024xi32, #tpu.memory_space<hbm>> -> memref<1x1024xi32, #tpu.memory_space<hbm>>
      %dma_wait3A_530 = arith.constant 1 : i32
      %dma_wait3A_531 = arith.constant 0 : i32
      %dma_wait3A_532 = tpu.memref_slice %arg5[%dma_wait3A_530, %dma_wait3A_531] : memref<4x1024xi32, #tpu.memory_space<vmem>> -> memref<1x1024xi32, #tpu.memory_space<vmem>>
      %dma_wait3A_533 = arith.constant 0 : i32
      %dma_wait3A_534 = tpu.memref_slice %arg2[%min3A_524, %dma_wait3A_533] : memref<3200x1024xi32, #tpu.memory_space<hbm>> -> memref<1x1024xi32, #tpu.memory_space<hbm>>
      tpu.wait_dma2 semaphore(%arg8 : memref<!tpu.dma_semaphore, #tpu.memory_space<semaphore_mem>>) src(%dma_wait3A_534 : memref<1x1024xi32, #tpu.memory_space<hbm>>) dst(%dma_wait3A_532 : memref<1x1024xi32, #tpu.memory_space<vmem>>)
      %dma_start3A_535 = arith.constant 1 : i32
      %dma_start3A_536 = arith.constant 1024 : i32
      %dma_start3A_537 = arith.constant 0 : i32
      %dma_start3A_538 = tpu.memref_slice %arg6[%dma_start3A_536, %dma_start3A_537] : memref<4096x16xf32, #tpu.memory_space<vmem>> -> memref<1024x16xf32, #tpu.memory_space<vmem>>
      %dma_start3A_539 = arith.constant 0 : i32
      %dma_start3A_540 = tpu.memref_slice %arg5[%dma_start3A_535, %dma_start3A_539] : memref<4x1024xi32, #tpu.memory_space<vmem>> -> memref<1x1024xi32, #tpu.memory_space<vmem>>
      %dma_start3A_541 = tpu.memref_squeeze %dma_start3A_540 : memref<1x1024xi32, #tpu.memory_space<vmem>> -> memref<1024xi32, #tpu.memory_space<vmem>>
      %dma_start3A_542 = arith.constant 0 : i32
      %dma_start3A_543 = arith.constant 0 : i32
      %dma_start3A_544 = tpu.memref_slice %arg3[%dma_start3A_542, %dma_start3A_543] : memref<1000000x16xf32, #tpu.memory_space<hbm>> -> memref<1000000x16xf32, #tpu.memory_space<hbm>>
      tpu.enqueue_indirect_dma source(%dma_start3A_544 : memref<1000000x16xf32, #tpu.memory_space<hbm>>) target(%dma_start3A_538 : memref<1024x16xf32, #tpu.memory_space<vmem>>) offsets(%dma_start3A_541 : memref<1024xi32, #tpu.memory_space<vmem>>) semaphore(%arg12 : memref<!tpu.dma_semaphore, #tpu.memory_space<semaphore_mem>>)
      %sub3A_545 = arith.constant 2 : i32
      %sub3A_546 = arith.subi %add3A_503, %sub3A_545 : i32
      %dma_wait3A_547 = arith.constant 3 : i32
      %dma_wait3A_548 = arith.constant 3072 : i32
      %dma_wait3A_549 = arith.constant 0 : i32
      %dma_wait3A_550 = tpu.memref_slice %arg6[%dma_wait3A_548, %dma_wait3A_549] : memref<4096x16xf32, #tpu.memory_space<vmem>> -> memref<1024x16xf32, #tpu.memory_space<vmem>>
      %dma_wait3A_551 = arith.constant 0 : i32
      %dma_wait3A_552 = tpu.memref_slice %arg5[%dma_wait3A_547, %dma_wait3A_551] : memref<4x1024xi32, #tpu.memory_space<vmem>> -> memref<1x1024xi32, #tpu.memory_space<vmem>>
      %dma_wait3A_553 = tpu.memref_squeeze %dma_wait3A_552 : memref<1x1024xi32, #tpu.memory_space<vmem>> -> memref<1024xi32, #tpu.memory_space<vmem>>
      %dma_wait3A_554 = arith.constant 0 : i32
      %dma_wait3A_555 = arith.constant 0 : i32
      %dma_wait3A_556 = tpu.memref_slice %arg3[%dma_wait3A_554, %dma_wait3A_555] : memref<1000000x16xf32, #tpu.memory_space<hbm>> -> memref<1000000x16xf32, #tpu.memory_space<hbm>>
      tpu.wait_indirect_dma semaphore(%arg14 : memref<!tpu.dma_semaphore, #tpu.memory_space<semaphore_mem>>) src(%dma_wait3A_556 : memref<1000000x16xf32, #tpu.memory_space<hbm>>) dst(%dma_wait3A_550 : memref<1024x16xf32, #tpu.memory_space<vmem>>)
      %mul3A_557 = arith.constant 100 : i32
      %mul3A_558 = arith.muli %add3A, %mul3A_557 : i32
      %add3A_559 = arith.addi %mul3A_558, %sub3A_546 : i32
      %mul3A_560 = arith.constant 1024 : i32
      %mul3A_561 = arith.muli %add3A_559, %mul3A_560 : i32
      %multiple_of3A_562 = tpu.assume_multiple %mul3A_561, 1024 : i32
      %dma_start3A_563 = arith.constant 3072 : i32
      %dma_start3A_564 = arith.constant 0 : i32
      %dma_start3A_565 = tpu.memref_slice %arg6[%dma_start3A_563, %dma_start3A_564] : memref<4096x16xf32, #tpu.memory_space<vmem>> -> memref<1024x16xf32, #tpu.memory_space<vmem>>
      %dma_start3A_566 = arith.constant 0 : i32
      %dma_start3A_567 = tpu.memref_slice %arg4[%multiple_of3A_562, %dma_start3A_566] : memref<3276800x16xf32, #tpu.memory_space<hbm>> -> memref<1024x16xf32, #tpu.memory_space<hbm>>
      %dma_start3A_568 = arith.constant 0 : i32
      %dma_start3A_569 = tpu.memref_slice %arg4[%multiple_of3A_562, %dma_start3A_568] : memref<3276800x16xf32, #tpu.memory_space<hbm>> -> memref<1024x16xf32, #tpu.memory_space<hbm>>
      %dma_start3A_570 = arith.constant 3072 : i32
      %dma_start3A_571 = arith.constant 0 : i32
      %dma_start3A_572 = tpu.memref_slice %arg6[%dma_start3A_570, %dma_start3A_571] : memref<4096x16xf32, #tpu.memory_space<vmem>> -> memref<1024x16xf32, #tpu.memory_space<vmem>>
      tpu.enqueue_dma source(%dma_start3A_572 : memref<1024x16xf32, #tpu.memory_space<vmem>>) target(%dma_start3A_569 : memref<1024x16xf32, #tpu.memory_space<hbm>>) target_semaphore(%arg18 : memref<!tpu.dma_semaphore, #tpu.memory_space<semaphore_mem>>)
      %add3A_573 = arith.constant 4 : i32
      %add3A_574 = arith.addi %sub3A_546, %add3A_573 : i32
      %mul3A_575 = arith.constant 100 : i32
      %mul3A_576 = arith.muli %add3A, %mul3A_575 : i32
      %add3A_577 = arith.addi %mul3A_576, %add3A_574 : i32
      %min3A_578 = arith.constant 3199 : i32
      %min3A_579 = arith.minsi %add3A_577, %min3A_578 : i32
      %dma_start3A_580 = arith.constant 3 : i32
      %dma_start3A_581 = arith.constant 0 : i32
      %dma_start3A_582 = tpu.memref_slice %arg5[%dma_start3A_580, %dma_start3A_581] : memref<4x1024xi32, #tpu.memory_space<vmem>> -> memref<1x1024xi32, #tpu.memory_space<vmem>>
      %dma_start3A_583 = arith.constant 0 : i32
      %dma_start3A_584 = tpu.memref_slice %arg2[%min3A_579, %dma_start3A_583] : memref<3200x1024xi32, #tpu.memory_space<hbm>> -> memref<1x1024xi32, #tpu.memory_space<hbm>>
      %dma_start3A_585 = arith.constant 3 : i32
      %dma_start3A_586 = arith.constant 0 : i32
      %dma_start3A_587 = tpu.memref_slice %arg5[%dma_start3A_585, %dma_start3A_586] : memref<4x1024xi32, #tpu.memory_space<vmem>> -> memref<1x1024xi32, #tpu.memory_space<vmem>>
      %dma_start3A_588 = arith.constant 0 : i32
      %dma_start3A_589 = tpu.memref_slice %arg2[%min3A_579, %dma_start3A_588] : memref<3200x1024xi32, #tpu.memory_space<hbm>> -> memref<1x1024xi32, #tpu.memory_space<hbm>>
      tpu.enqueue_dma source(%dma_start3A_589 : memref<1x1024xi32, #tpu.memory_space<hbm>>) target(%dma_start3A_587 : memref<1x1024xi32, #tpu.memory_space<vmem>>) target_semaphore(%arg10 : memref<!tpu.dma_semaphore, #tpu.memory_space<semaphore_mem>>)
      %mul3A_590 = arith.constant 4 : i32
      %mul3A_591 = arith.muli %scan3A_410, %mul3A_590 : i32
      %add3A_592 = arith.constant 2 : i32
      %add3A_593 = arith.addi %mul3A_591, %add3A_592 : i32
      %mul3A_594 = arith.constant 100 : i32
      %mul3A_595 = arith.muli %add3A, %mul3A_594 : i32
      %add3A_596 = arith.addi %mul3A_595, %add3A_593 : i32
      %mul3A_597 = arith.constant 1024 : i32
      %mul3A_598 = arith.muli %add3A_596, %mul3A_597 : i32
      %multiple_of3A_599 = tpu.assume_multiple %mul3A_598, 1024 : i32
      %dma_wait3A_600 = arith.constant 2048 : i32
      %dma_wait3A_601 = arith.constant 0 : i32
      %dma_wait3A_602 = tpu.memref_slice %arg6[%dma_wait3A_600, %dma_wait3A_601] : memref<4096x16xf32, #tpu.memory_space<vmem>> -> memref<1024x16xf32, #tpu.memory_space<vmem>>
      %dma_wait3A_603 = arith.constant 0 : i32
      %dma_wait3A_604 = tpu.memref_slice %arg4[%multiple_of3A_599, %dma_wait3A_603] : memref<3276800x16xf32, #tpu.memory_space<hbm>> -> memref<1024x16xf32, #tpu.memory_space<hbm>>
      %dma_wait3A_605 = arith.constant 0 : i32
      %dma_wait3A_606 = tpu.memref_slice %arg4[%multiple_of3A_599, %dma_wait3A_605] : memref<3276800x16xf32, #tpu.memory_space<hbm>> -> memref<1024x16xf32, #tpu.memory_space<hbm>>
      %dma_wait3A_607 = arith.constant 2048 : i32
      %dma_wait3A_608 = arith.constant 0 : i32
      %dma_wait3A_609 = tpu.memref_slice %arg6[%dma_wait3A_607, %dma_wait3A_608] : memref<4096x16xf32, #tpu.memory_space<vmem>> -> memref<1024x16xf32, #tpu.memory_space<vmem>>
      tpu.wait_dma2 semaphore(%arg17 : memref<!tpu.dma_semaphore, #tpu.memory_space<semaphore_mem>>) src(%dma_wait3A_609 : memref<1024x16xf32, #tpu.memory_space<vmem>>) dst(%dma_wait3A_606 : memref<1024x16xf32, #tpu.memory_space<hbm>>)
      %mul3A_610 = arith.constant 100 : i32
      %mul3A_611 = arith.muli %add3A, %mul3A_610 : i32
      %add3A_612 = arith.addi %mul3A_611, %add3A_593 : i32
      %min3A_613 = arith.constant 3199 : i32
      %min3A_614 = arith.minsi %add3A_612, %min3A_613 : i32
      %dma_wait3A_615 = arith.constant 2 : i32
      %dma_wait3A_616 = arith.constant 0 : i32
      %dma_wait3A_617 = tpu.memref_slice %arg5[%dma_wait3A_615, %dma_wait3A_616] : memref<4x1024xi32, #tpu.memory_space<vmem>> -> memref<1x1024xi32, #tpu.memory_space<vmem>>
      %dma_wait3A_618 = arith.constant 0 : i32
      %dma_wait3A_619 = tpu.memref_slice %arg2[%min3A_614, %dma_wait3A_618] : memref<3200x1024xi32, #tpu.memory_space<hbm>> -> memref<1x1024xi32, #tpu.memory_space<hbm>>
      %dma_wait3A_620 = arith.constant 2 : i32
      %dma_wait3A_621 = arith.constant 0 : i32
      %dma_wait3A_622 = tpu.memref_slice %arg5[%dma_wait3A_620, %dma_wait3A_621] : memref<4x1024xi32, #tpu.memory_space<vmem>> -> memref<1x1024xi32, #tpu.memory_space<vmem>>
      %dma_wait3A_623 = arith.constant 0 : i32
      %dma_wait3A_624 = tpu.memref_slice %arg2[%min3A_614, %dma_wait3A_623] : memref<3200x1024xi32, #tpu.memory_space<hbm>> -> memref<1x1024xi32, #tpu.memory_space<hbm>>
      tpu.wait_dma2 semaphore(%arg9 : memref<!tpu.dma_semaphore, #tpu.memory_space<semaphore_mem>>) src(%dma_wait3A_624 : memref<1x1024xi32, #tpu.memory_space<hbm>>) dst(%dma_wait3A_622 : memref<1x1024xi32, #tpu.memory_space<vmem>>)
      %dma_start3A_625 = arith.constant 2 : i32
      %dma_start3A_626 = arith.constant 2048 : i32
      %dma_start3A_627 = arith.constant 0 : i32
      %dma_start3A_628 = tpu.memref_slice %arg6[%dma_start3A_626, %dma_start3A_627] : memref<4096x16xf32, #tpu.memory_space<vmem>> -> memref<1024x16xf32, #tpu.memory_space<vmem>>
      %dma_start3A_629 = arith.constant 0 : i32
      %dma_start3A_630 = tpu.memref_slice %arg5[%dma_start3A_625, %dma_start3A_629] : memref<4x1024xi32, #tpu.memory_space<vmem>> -> memref<1x1024xi32, #tpu.memory_space<vmem>>
      %dma_start3A_631 = tpu.memref_squeeze %dma_start3A_630 : memref<1x1024xi32, #tpu.memory_space<vmem>> -> memref<1024xi32, #tpu.memory_space<vmem>>
      %dma_start3A_632 = arith.constant 0 : i32
      %dma_start3A_633 = arith.constant 0 : i32
      %dma_start3A_634 = tpu.memref_slice %arg3[%dma_start3A_632, %dma_start3A_633] : memref<1000000x16xf32, #tpu.memory_space<hbm>> -> memref<1000000x16xf32, #tpu.memory_space<hbm>>
      tpu.enqueue_indirect_dma source(%dma_start3A_634 : memref<1000000x16xf32, #tpu.memory_space<hbm>>) target(%dma_start3A_628 : memref<1024x16xf32, #tpu.memory_space<vmem>>) offsets(%dma_start3A_631 : memref<1024xi32, #tpu.memory_space<vmem>>) semaphore(%arg13 : memref<!tpu.dma_semaphore, #tpu.memory_space<semaphore_mem>>)
      %sub3A_635 = arith.constant 2 : i32
      %sub3A_636 = arith.subi %add3A_593, %sub3A_635 : i32
      %dma_wait3A_637 = arith.constant 0 : i32
      %dma_wait3A_638 = arith.constant 0 : i32
      %dma_wait3A_639 = arith.constant 0 : i32
      %dma_wait3A_640 = tpu.memref_slice %arg6[%dma_wait3A_638, %dma_wait3A_639] : memref<4096x16xf32, #tpu.memory_space<vmem>> -> memref<1024x16xf32, #tpu.memory_space<vmem>>
      %dma_wait3A_641 = arith.constant 0 : i32
      %dma_wait3A_642 = tpu.memref_slice %arg5[%dma_wait3A_637, %dma_wait3A_641] : memref<4x1024xi32, #tpu.memory_space<vmem>> -> memref<1x1024xi32, #tpu.memory_space<vmem>>
      %dma_wait3A_643 = tpu.memref_squeeze %dma_wait3A_642 : memref<1x1024xi32, #tpu.memory_space<vmem>> -> memref<1024xi32, #tpu.memory_space<vmem>>
      %dma_wait3A_644 = arith.constant 0 : i32
      %dma_wait3A_645 = arith.constant 0 : i32
      %dma_wait3A_646 = tpu.memref_slice %arg3[%dma_wait3A_644, %dma_wait3A_645] : memref<1000000x16xf32, #tpu.memory_space<hbm>> -> memref<1000000x16xf32, #tpu.memory_space<hbm>>
      tpu.wait_indirect_dma semaphore(%arg11 : memref<!tpu.dma_semaphore, #tpu.memory_space<semaphore_mem>>) src(%dma_wait3A_646 : memref<1000000x16xf32, #tpu.memory_space<hbm>>) dst(%dma_wait3A_640 : memref<1024x16xf32, #tpu.memory_space<vmem>>)
      %mul3A_647 = arith.constant 100 : i32
      %mul3A_648 = arith.muli %add3A, %mul3A_647 : i32
      %add3A_649 = arith.addi %mul3A_648, %sub3A_636 : i32
      %mul3A_650 = arith.constant 1024 : i32
      %mul3A_651 = arith.muli %add3A_649, %mul3A_650 : i32
      %multiple_of3A_652 = tpu.assume_multiple %mul3A_651, 1024 : i32
      %dma_start3A_653 = arith.constant 0 : i32
      %dma_start3A_654 = arith.constant 0 : i32
      %dma_start3A_655 = tpu.memref_slice %arg6[%dma_start3A_653, %dma_start3A_654] : memref<4096x16xf32, #tpu.memory_space<vmem>> -> memref<1024x16xf32, #tpu.memory_space<vmem>>
      %dma_start3A_656 = arith.constant 0 : i32
      %dma_start3A_657 = tpu.memref_slice %arg4[%multiple_of3A_652, %dma_start3A_656] : memref<3276800x16xf32, #tpu.memory_space<hbm>> -> memref<1024x16xf32, #tpu.memory_space<hbm>>
      %dma_start3A_658 = arith.constant 0 : i32
      %dma_start3A_659 = tpu.memref_slice %arg4[%multiple_of3A_652, %dma_start3A_658] : memref<3276800x16xf32, #tpu.memory_space<hbm>> -> memref<1024x16xf32, #tpu.memory_space<hbm>>
      %dma_start3A_660 = arith.constant 0 : i32
      %dma_start3A_661 = arith.constant 0 : i32
      %dma_start3A_662 = tpu.memref_slice %arg6[%dma_start3A_660, %dma_start3A_661] : memref<4096x16xf32, #tpu.memory_space<vmem>> -> memref<1024x16xf32, #tpu.memory_space<vmem>>
      tpu.enqueue_dma source(%dma_start3A_662 : memref<1024x16xf32, #tpu.memory_space<vmem>>) target(%dma_start3A_659 : memref<1024x16xf32, #tpu.memory_space<hbm>>) target_semaphore(%arg15 : memref<!tpu.dma_semaphore, #tpu.memory_space<semaphore_mem>>)
      %add3A_663 = arith.constant 4 : i32
      %add3A_664 = arith.addi %sub3A_636, %add3A_663 : i32
      %mul3A_665 = arith.constant 100 : i32
      %mul3A_666 = arith.muli %add3A, %mul3A_665 : i32
      %add3A_667 = arith.addi %mul3A_666, %add3A_664 : i32
      %min3A_668 = arith.constant 3199 : i32
      %min3A_669 = arith.minsi %add3A_667, %min3A_668 : i32
      %dma_start3A_670 = arith.constant 0 : i32
      %dma_start3A_671 = arith.constant 0 : i32
      %dma_start3A_672 = tpu.memref_slice %arg5[%dma_start3A_670, %dma_start3A_671] : memref<4x1024xi32, #tpu.memory_space<vmem>> -> memref<1x1024xi32, #tpu.memory_space<vmem>>
      %dma_start3A_673 = arith.constant 0 : i32
      %dma_start3A_674 = tpu.memref_slice %arg2[%min3A_669, %dma_start3A_673] : memref<3200x1024xi32, #tpu.memory_space<hbm>> -> memref<1x1024xi32, #tpu.memory_space<hbm>>
      %dma_start3A_675 = arith.constant 0 : i32
      %dma_start3A_676 = arith.constant 0 : i32
      %dma_start3A_677 = tpu.memref_slice %arg5[%dma_start3A_675, %dma_start3A_676] : memref<4x1024xi32, #tpu.memory_space<vmem>> -> memref<1x1024xi32, #tpu.memory_space<vmem>>
      %dma_start3A_678 = arith.constant 0 : i32
      %dma_start3A_679 = tpu.memref_slice %arg2[%min3A_669, %dma_start3A_678] : memref<3200x1024xi32, #tpu.memory_space<hbm>> -> memref<1x1024xi32, #tpu.memory_space<hbm>>
      tpu.enqueue_dma source(%dma_start3A_679 : memref<1x1024xi32, #tpu.memory_space<hbm>>) target(%dma_start3A_677 : memref<1x1024xi32, #tpu.memory_space<vmem>>) target_semaphore(%arg7 : memref<!tpu.dma_semaphore, #tpu.memory_space<semaphore_mem>>)
      %mul3A_680 = arith.constant 4 : i32
      %mul3A_681 = arith.muli %scan3A_410, %mul3A_680 : i32
      %add3A_682 = arith.constant 3 : i32
      %add3A_683 = arith.addi %mul3A_681, %add3A_682 : i32
      %mul3A_684 = arith.constant 100 : i32
      %mul3A_685 = arith.muli %add3A, %mul3A_684 : i32
      %add3A_686 = arith.addi %mul3A_685, %add3A_683 : i32
      %mul3A_687 = arith.constant 1024 : i32
      %mul3A_688 = arith.muli %add3A_686, %mul3A_687 : i32
      %multiple_of3A_689 = tpu.assume_multiple %mul3A_688, 1024 : i32
      %dma_wait3A_690 = arith.constant 3072 : i32
      %dma_wait3A_691 = arith.constant 0 : i32
      %dma_wait3A_692 = tpu.memref_slice %arg6[%dma_wait3A_690, %dma_wait3A_691] : memref<4096x16xf32, #tpu.memory_space<vmem>> -> memref<1024x16xf32, #tpu.memory_space<vmem>>
      %dma_wait3A_693 = arith.constant 0 : i32
      %dma_wait3A_694 = tpu.memref_slice %arg4[%multiple_of3A_689, %dma_wait3A_693] : memref<3276800x16xf32, #tpu.memory_space<hbm>> -> memref<1024x16xf32, #tpu.memory_space<hbm>>
      %dma_wait3A_695 = arith.constant 0 : i32
      %dma_wait3A_696 = tpu.memref_slice %arg4[%multiple_of3A_689, %dma_wait3A_695] : memref<3276800x16xf32, #tpu.memory_space<hbm>> -> memref<1024x16xf32, #tpu.memory_space<hbm>>
      %dma_wait3A_697 = arith.constant 3072 : i32
      %dma_wait3A_698 = arith.constant 0 : i32
      %dma_wait3A_699 = tpu.memref_slice %arg6[%dma_wait3A_697, %dma_wait3A_698] : memref<4096x16xf32, #tpu.memory_space<vmem>> -> memref<1024x16xf32, #tpu.memory_space<vmem>>
      tpu.wait_dma2 semaphore(%arg18 : memref<!tpu.dma_semaphore, #tpu.memory_space<semaphore_mem>>) src(%dma_wait3A_699 : memref<1024x16xf32, #tpu.memory_space<vmem>>) dst(%dma_wait3A_696 : memref<1024x16xf32, #tpu.memory_space<hbm>>)
      %mul3A_700 = arith.constant 100 : i32
      %mul3A_701 = arith.muli %add3A, %mul3A_700 : i32
      %add3A_702 = arith.addi %mul3A_701, %add3A_683 : i32
      %min3A_703 = arith.constant 3199 : i32
      %min3A_704 = arith.minsi %add3A_702, %min3A_703 : i32
      %dma_wait3A_705 = arith.constant 3 : i32
      %dma_wait3A_706 = arith.constant 0 : i32
      %dma_wait3A_707 = tpu.memref_slice %arg5[%dma_wait3A_705, %dma_wait3A_706] : memref<4x1024xi32, #tpu.memory_space<vmem>> -> memref<1x1024xi32, #tpu.memory_space<vmem>>
      %dma_wait3A_708 = arith.constant 0 : i32
      %dma_wait3A_709 = tpu.memref_slice %arg2[%min3A_704, %dma_wait3A_708] : memref<3200x1024xi32, #tpu.memory_space<hbm>> -> memref<1x1024xi32, #tpu.memory_space<hbm>>
      %dma_wait3A_710 = arith.constant 3 : i32
      %dma_wait3A_711 = arith.constant 0 : i32
      %dma_wait3A_712 = tpu.memref_slice %arg5[%dma_wait3A_710, %dma_wait3A_711] : memref<4x1024xi32, #tpu.memory_space<vmem>> -> memref<1x1024xi32, #tpu.memory_space<vmem>>
      %dma_wait3A_713 = arith.constant 0 : i32
      %dma_wait3A_714 = tpu.memref_slice %arg2[%min3A_704, %dma_wait3A_713] : memref<3200x1024xi32, #tpu.memory_space<hbm>> -> memref<1x1024xi32, #tpu.memory_space<hbm>>
      tpu.wait_dma2 semaphore(%arg10 : memref<!tpu.dma_semaphore, #tpu.memory_space<semaphore_mem>>) src(%dma_wait3A_714 : memref<1x1024xi32, #tpu.memory_space<hbm>>) dst(%dma_wait3A_712 : memref<1x1024xi32, #tpu.memory_space<vmem>>)
      %dma_start3A_715 = arith.constant 3 : i32
      %dma_start3A_716 = arith.constant 3072 : i32
      %dma_start3A_717 = arith.constant 0 : i32
      %dma_start3A_718 = tpu.memref_slice %arg6[%dma_start3A_716, %dma_start3A_717] : memref<4096x16xf32, #tpu.memory_space<vmem>> -> memref<1024x16xf32, #tpu.memory_space<vmem>>
      %dma_start3A_719 = arith.constant 0 : i32
      %dma_start3A_720 = tpu.memref_slice %arg5[%dma_start3A_715, %dma_start3A_719] : memref<4x1024xi32, #tpu.memory_space<vmem>> -> memref<1x1024xi32, #tpu.memory_space<vmem>>
      %dma_start3A_721 = tpu.memref_squeeze %dma_start3A_720 : memref<1x1024xi32, #tpu.memory_space<vmem>> -> memref<1024xi32, #tpu.memory_space<vmem>>
      %dma_start3A_722 = arith.constant 0 : i32
      %dma_start3A_723 = arith.constant 0 : i32
      %dma_start3A_724 = tpu.memref_slice %arg3[%dma_start3A_722, %dma_start3A_723] : memref<1000000x16xf32, #tpu.memory_space<hbm>> -> memref<1000000x16xf32, #tpu.memory_space<hbm>>
      tpu.enqueue_indirect_dma source(%dma_start3A_724 : memref<1000000x16xf32, #tpu.memory_space<hbm>>) target(%dma_start3A_718 : memref<1024x16xf32, #tpu.memory_space<vmem>>) offsets(%dma_start3A_721 : memref<1024xi32, #tpu.memory_space<vmem>>) semaphore(%arg14 : memref<!tpu.dma_semaphore, #tpu.memory_space<semaphore_mem>>)
      %sub3A_725 = arith.constant 2 : i32
      %sub3A_726 = arith.subi %add3A_683, %sub3A_725 : i32
      %dma_wait3A_727 = arith.constant 1 : i32
      %dma_wait3A_728 = arith.constant 1024 : i32
      %dma_wait3A_729 = arith.constant 0 : i32
      %dma_wait3A_730 = tpu.memref_slice %arg6[%dma_wait3A_728, %dma_wait3A_729] : memref<4096x16xf32, #tpu.memory_space<vmem>> -> memref<1024x16xf32, #tpu.memory_space<vmem>>
      %dma_wait3A_731 = arith.constant 0 : i32
      %dma_wait3A_732 = tpu.memref_slice %arg5[%dma_wait3A_727, %dma_wait3A_731] : memref<4x1024xi32, #tpu.memory_space<vmem>> -> memref<1x1024xi32, #tpu.memory_space<vmem>>
      %dma_wait3A_733 = tpu.memref_squeeze %dma_wait3A_732 : memref<1x1024xi32, #tpu.memory_space<vmem>> -> memref<1024xi32, #tpu.memory_space<vmem>>
      %dma_wait3A_734 = arith.constant 0 : i32
      %dma_wait3A_735 = arith.constant 0 : i32
      %dma_wait3A_736 = tpu.memref_slice %arg3[%dma_wait3A_734, %dma_wait3A_735] : memref<1000000x16xf32, #tpu.memory_space<hbm>> -> memref<1000000x16xf32, #tpu.memory_space<hbm>>
      tpu.wait_indirect_dma semaphore(%arg12 : memref<!tpu.dma_semaphore, #tpu.memory_space<semaphore_mem>>) src(%dma_wait3A_736 : memref<1000000x16xf32, #tpu.memory_space<hbm>>) dst(%dma_wait3A_730 : memref<1024x16xf32, #tpu.memory_space<vmem>>)
      %mul3A_737 = arith.constant 100 : i32
      %mul3A_738 = arith.muli %add3A, %mul3A_737 : i32
      %add3A_739 = arith.addi %mul3A_738, %sub3A_726 : i32
      %mul3A_740 = arith.constant 1024 : i32
      %mul3A_741 = arith.muli %add3A_739, %mul3A_740 : i32
      %multiple_of3A_742 = tpu.assume_multiple %mul3A_741, 1024 : i32
      %dma_start3A_743 = arith.constant 1024 : i32
      %dma_start3A_744 = arith.constant 0 : i32
      %dma_start3A_745 = tpu.memref_slice %arg6[%dma_start3A_743, %dma_start3A_744] : memref<4096x16xf32, #tpu.memory_space<vmem>> -> memref<1024x16xf32, #tpu.memory_space<vmem>>
      %dma_start3A_746 = arith.constant 0 : i32
      %dma_start3A_747 = tpu.memref_slice %arg4[%multiple_of3A_742, %dma_start3A_746] : memref<3276800x16xf32, #tpu.memory_space<hbm>> -> memref<1024x16xf32, #tpu.memory_space<hbm>>
      %dma_start3A_748 = arith.constant 0 : i32
      %dma_start3A_749 = tpu.memref_slice %arg4[%multiple_of3A_742, %dma_start3A_748] : memref<3276800x16xf32, #tpu.memory_space<hbm>> -> memref<1024x16xf32, #tpu.memory_space<hbm>>
      %dma_start3A_750 = arith.constant 1024 : i32
      %dma_start3A_751 = arith.constant 0 : i32
      %dma_start3A_752 = tpu.memref_slice %arg6[%dma_start3A_750, %dma_start3A_751] : memref<4096x16xf32, #tpu.memory_space<vmem>> -> memref<1024x16xf32, #tpu.memory_space<vmem>>
      tpu.enqueue_dma source(%dma_start3A_752 : memref<1024x16xf32, #tpu.memory_space<vmem>>) target(%dma_start3A_749 : memref<1024x16xf32, #tpu.memory_space<hbm>>) target_semaphore(%arg16 : memref<!tpu.dma_semaphore, #tpu.memory_space<semaphore_mem>>)
      %add3A_753 = arith.constant 4 : i32
      %add3A_754 = arith.addi %sub3A_726, %add3A_753 : i32
      %mul3A_755 = arith.constant 100 : i32
      %mul3A_756 = arith.muli %add3A, %mul3A_755 : i32
      %add3A_757 = arith.addi %mul3A_756, %add3A_754 : i32
      %min3A_758 = arith.constant 3199 : i32
      %min3A_759 = arith.minsi %add3A_757, %min3A_758 : i32
      %dma_start3A_760 = arith.constant 1 : i32
      %dma_start3A_761 = arith.constant 0 : i32
      %dma_start3A_762 = tpu.memref_slice %arg5[%dma_start3A_760, %dma_start3A_761] : memref<4x1024xi32, #tpu.memory_space<vmem>> -> memref<1x1024xi32, #tpu.memory_space<vmem>>
      %dma_start3A_763 = arith.constant 0 : i32
      %dma_start3A_764 = tpu.memref_slice %arg2[%min3A_759, %dma_start3A_763] : memref<3200x1024xi32, #tpu.memory_space<hbm>> -> memref<1x1024xi32, #tpu.memory_space<hbm>>
      %dma_start3A_765 = arith.constant 1 : i32
      %dma_start3A_766 = arith.constant 0 : i32
      %dma_start3A_767 = tpu.memref_slice %arg5[%dma_start3A_765, %dma_start3A_766] : memref<4x1024xi32, #tpu.memory_space<vmem>> -> memref<1x1024xi32, #tpu.memory_space<vmem>>
      %dma_start3A_768 = arith.constant 0 : i32
      %dma_start3A_769 = tpu.memref_slice %arg2[%min3A_759, %dma_start3A_768] : memref<3200x1024xi32, #tpu.memory_space<hbm>> -> memref<1x1024xi32, #tpu.memory_space<hbm>>
      tpu.enqueue_dma source(%dma_start3A_769 : memref<1x1024xi32, #tpu.memory_space<hbm>>) target(%dma_start3A_767 : memref<1x1024xi32, #tpu.memory_space<vmem>>) target_semaphore(%arg8 : memref<!tpu.dma_semaphore, #tpu.memory_space<semaphore_mem>>)
    }
    %scan3A_255 = arith.constant 24 : i32
    %dma_wait3A_256 = arith.constant 2 : i32
    %dma_wait3A_257 = arith.constant 2048 : i32
    %dma_wait3A_258 = arith.constant 0 : i32
    %dma_wait3A_259 = tpu.memref_slice %arg6[%dma_wait3A_257, %dma_wait3A_258] : memref<4096x16xf32, #tpu.memory_space<vmem>> -> memref<1024x16xf32, #tpu.memory_space<vmem>>
    %dma_wait3A_260 = arith.constant 0 : i32
    %dma_wait3A_261 = tpu.memref_slice %arg5[%dma_wait3A_256, %dma_wait3A_260] : memref<4x1024xi32, #tpu.memory_space<vmem>> -> memref<1x1024xi32, #tpu.memory_space<vmem>>
    %dma_wait3A_262 = tpu.memref_squeeze %dma_wait3A_261 : memref<1x1024xi32, #tpu.memory_space<vmem>> -> memref<1024xi32, #tpu.memory_space<vmem>>
    %dma_wait3A_263 = arith.constant 0 : i32
    %dma_wait3A_264 = arith.constant 0 : i32
    %dma_wait3A_265 = tpu.memref_slice %arg3[%dma_wait3A_263, %dma_wait3A_264] : memref<1000000x16xf32, #tpu.memory_space<hbm>> -> memref<1000000x16xf32, #tpu.memory_space<hbm>>
    tpu.wait_indirect_dma semaphore(%arg13 : memref<!tpu.dma_semaphore, #tpu.memory_space<semaphore_mem>>) src(%dma_wait3A_265 : memref<1000000x16xf32, #tpu.memory_space<hbm>>) dst(%dma_wait3A_259 : memref<1024x16xf32, #tpu.memory_space<vmem>>)
    %mul3A_266 = arith.constant 100 : i32
    %mul3A_267 = arith.muli %add3A, %mul3A_266 : i32
    %add3A_268 = arith.constant 98 : i32
    %add3A_269 = arith.addi %mul3A_267, %add3A_268 : i32
    %mul3A_270 = arith.constant 1024 : i32
    %mul3A_271 = arith.muli %add3A_269, %mul3A_270 : i32
    %multiple_of3A_272 = tpu.assume_multiple %mul3A_271, 1024 : i32
    %dma_start3A_273 = arith.constant 2048 : i32
    %dma_start3A_274 = arith.constant 0 : i32
    %dma_start3A_275 = tpu.memref_slice %arg6[%dma_start3A_273, %dma_start3A_274] : memref<4096x16xf32, #tpu.memory_space<vmem>> -> memref<1024x16xf32, #tpu.memory_space<vmem>>
    %dma_start3A_276 = arith.constant 0 : i32
    %dma_start3A_277 = tpu.memref_slice %arg4[%multiple_of3A_272, %dma_start3A_276] : memref<3276800x16xf32, #tpu.memory_space<hbm>> -> memref<1024x16xf32, #tpu.memory_space<hbm>>
    %dma_start3A_278 = arith.constant 0 : i32
    %dma_start3A_279 = tpu.memref_slice %arg4[%multiple_of3A_272, %dma_start3A_278] : memref<3276800x16xf32, #tpu.memory_space<hbm>> -> memref<1024x16xf32, #tpu.memory_space<hbm>>
    %dma_start3A_280 = arith.constant 2048 : i32
    %dma_start3A_281 = arith.constant 0 : i32
    %dma_start3A_282 = tpu.memref_slice %arg6[%dma_start3A_280, %dma_start3A_281] : memref<4096x16xf32, #tpu.memory_space<vmem>> -> memref<1024x16xf32, #tpu.memory_space<vmem>>
    tpu.enqueue_dma source(%dma_start3A_282 : memref<1024x16xf32, #tpu.memory_space<vmem>>) target(%dma_start3A_279 : memref<1024x16xf32, #tpu.memory_space<hbm>>) target_semaphore(%arg17 : memref<!tpu.dma_semaphore, #tpu.memory_space<semaphore_mem>>)
    %dma_wait3A_283 = arith.constant 3 : i32
    %dma_wait3A_284 = arith.constant 3072 : i32
    %dma_wait3A_285 = arith.constant 0 : i32
    %dma_wait3A_286 = tpu.memref_slice %arg6[%dma_wait3A_284, %dma_wait3A_285] : memref<4096x16xf32, #tpu.memory_space<vmem>> -> memref<1024x16xf32, #tpu.memory_space<vmem>>
    %dma_wait3A_287 = arith.constant 0 : i32
    %dma_wait3A_288 = tpu.memref_slice %arg5[%dma_wait3A_283, %dma_wait3A_287] : memref<4x1024xi32, #tpu.memory_space<vmem>> -> memref<1x1024xi32, #tpu.memory_space<vmem>>
    %dma_wait3A_289 = tpu.memref_squeeze %dma_wait3A_288 : memref<1x1024xi32, #tpu.memory_space<vmem>> -> memref<1024xi32, #tpu.memory_space<vmem>>
    %dma_wait3A_290 = arith.constant 0 : i32
    %dma_wait3A_291 = arith.constant 0 : i32
    %dma_wait3A_292 = tpu.memref_slice %arg3[%dma_wait3A_290, %dma_wait3A_291] : memref<1000000x16xf32, #tpu.memory_space<hbm>> -> memref<1000000x16xf32, #tpu.memory_space<hbm>>
    tpu.wait_indirect_dma semaphore(%arg14 : memref<!tpu.dma_semaphore, #tpu.memory_space<semaphore_mem>>) src(%dma_wait3A_292 : memref<1000000x16xf32, #tpu.memory_space<hbm>>) dst(%dma_wait3A_286 : memref<1024x16xf32, #tpu.memory_space<vmem>>)
    %mul3A_293 = arith.constant 100 : i32
    %mul3A_294 = arith.muli %add3A, %mul3A_293 : i32
    %add3A_295 = arith.constant 99 : i32
    %add3A_296 = arith.addi %mul3A_294, %add3A_295 : i32
    %mul3A_297 = arith.constant 1024 : i32
    %mul3A_298 = arith.muli %add3A_296, %mul3A_297 : i32
    %multiple_of3A_299 = tpu.assume_multiple %mul3A_298, 1024 : i32
    %dma_start3A_300 = arith.constant 3072 : i32
    %dma_start3A_301 = arith.constant 0 : i32
    %dma_start3A_302 = tpu.memref_slice %arg6[%dma_start3A_300, %dma_start3A_301] : memref<4096x16xf32, #tpu.memory_space<vmem>> -> memref<1024x16xf32, #tpu.memory_space<vmem>>
    %dma_start3A_303 = arith.constant 0 : i32
    %dma_start3A_304 = tpu.memref_slice %arg4[%multiple_of3A_299, %dma_start3A_303] : memref<3276800x16xf32, #tpu.memory_space<hbm>> -> memref<1024x16xf32, #tpu.memory_space<hbm>>
    %dma_start3A_305 = arith.constant 0 : i32
    %dma_start3A_306 = tpu.memref_slice %arg4[%multiple_of3A_299, %dma_start3A_305] : memref<3276800x16xf32, #tpu.memory_space<hbm>> -> memref<1024x16xf32, #tpu.memory_space<hbm>>
    %dma_start3A_307 = arith.constant 3072 : i32
    %dma_start3A_308 = arith.constant 0 : i32
    %dma_start3A_309 = tpu.memref_slice %arg6[%dma_start3A_307, %dma_start3A_308] : memref<4096x16xf32, #tpu.memory_space<vmem>> -> memref<1024x16xf32, #tpu.memory_space<vmem>>
    tpu.enqueue_dma source(%dma_start3A_309 : memref<1024x16xf32, #tpu.memory_space<vmem>>) target(%dma_start3A_306 : memref<1024x16xf32, #tpu.memory_space<hbm>>) target_semaphore(%arg18 : memref<!tpu.dma_semaphore, #tpu.memory_space<semaphore_mem>>)
    %mul3A_310 = arith.constant 100 : i32
    %mul3A_311 = arith.muli %add3A, %mul3A_310 : i32
    %add3A_312 = arith.constant 96 : i32
    %add3A_313 = arith.addi %mul3A_311, %add3A_312 : i32
    %mul3A_314 = arith.constant 1024 : i32
    %mul3A_315 = arith.muli %add3A_313, %mul3A_314 : i32
    %multiple_of3A_316 = tpu.assume_multiple %mul3A_315, 1024 : i32
    %dma_wait3A_317 = arith.constant 0 : i32
    %dma_wait3A_318 = arith.constant 0 : i32
    %dma_wait3A_319 = tpu.memref_slice %arg6[%dma_wait3A_317, %dma_wait3A_318] : memref<4096x16xf32, #tpu.memory_space<vmem>> -> memref<1024x16xf32, #tpu.memory_space<vmem>>
    %dma_wait3A_320 = arith.constant 0 : i32
    %dma_wait3A_321 = tpu.memref_slice %arg4[%multiple_of3A_316, %dma_wait3A_320] : memref<3276800x16xf32, #tpu.memory_space<hbm>> -> memref<1024x16xf32, #tpu.memory_space<hbm>>
    %dma_wait3A_322 = arith.constant 0 : i32
    %dma_wait3A_323 = tpu.memref_slice %arg4[%multiple_of3A_316, %dma_wait3A_322] : memref<3276800x16xf32, #tpu.memory_space<hbm>> -> memref<1024x16xf32, #tpu.memory_space<hbm>>
    %dma_wait3A_324 = arith.constant 0 : i32
    %dma_wait3A_325 = arith.constant 0 : i32
    %dma_wait3A_326 = tpu.memref_slice %arg6[%dma_wait3A_324, %dma_wait3A_325] : memref<4096x16xf32, #tpu.memory_space<vmem>> -> memref<1024x16xf32, #tpu.memory_space<vmem>>
    tpu.wait_dma2 semaphore(%arg15 : memref<!tpu.dma_semaphore, #tpu.memory_space<semaphore_mem>>) src(%dma_wait3A_326 : memref<1024x16xf32, #tpu.memory_space<vmem>>) dst(%dma_wait3A_323 : memref<1024x16xf32, #tpu.memory_space<hbm>>)
    %mul3A_327 = arith.constant 100 : i32
    %mul3A_328 = arith.muli %add3A, %mul3A_327 : i32
    %add3A_329 = arith.constant 97 : i32
    %add3A_330 = arith.addi %mul3A_328, %add3A_329 : i32
    %mul3A_331 = arith.constant 1024 : i32
    %mul3A_332 = arith.muli %add3A_330, %mul3A_331 : i32
    %multiple_of3A_333 = tpu.assume_multiple %mul3A_332, 1024 : i32
    %dma_wait3A_334 = arith.constant 1024 : i32
    %dma_wait3A_335 = arith.constant 0 : i32
    %dma_wait3A_336 = tpu.memref_slice %arg6[%dma_wait3A_334, %dma_wait3A_335] : memref<4096x16xf32, #tpu.memory_space<vmem>> -> memref<1024x16xf32, #tpu.memory_space<vmem>>
    %dma_wait3A_337 = arith.constant 0 : i32
    %dma_wait3A_338 = tpu.memref_slice %arg4[%multiple_of3A_333, %dma_wait3A_337] : memref<3276800x16xf32, #tpu.memory_space<hbm>> -> memref<1024x16xf32, #tpu.memory_space<hbm>>
    %dma_wait3A_339 = arith.constant 0 : i32
    %dma_wait3A_340 = tpu.memref_slice %arg4[%multiple_of3A_333, %dma_wait3A_339] : memref<3276800x16xf32, #tpu.memory_space<hbm>> -> memref<1024x16xf32, #tpu.memory_space<hbm>>
    %dma_wait3A_341 = arith.constant 1024 : i32
    %dma_wait3A_342 = arith.constant 0 : i32
    %dma_wait3A_343 = tpu.memref_slice %arg6[%dma_wait3A_341, %dma_wait3A_342] : memref<4096x16xf32, #tpu.memory_space<vmem>> -> memref<1024x16xf32, #tpu.memory_space<vmem>>
    tpu.wait_dma2 semaphore(%arg16 : memref<!tpu.dma_semaphore, #tpu.memory_space<semaphore_mem>>) src(%dma_wait3A_343 : memref<1024x16xf32, #tpu.memory_space<vmem>>) dst(%dma_wait3A_340 : memref<1024x16xf32, #tpu.memory_space<hbm>>)
    %mul3A_344 = arith.constant 100 : i32
    %mul3A_345 = arith.muli %add3A, %mul3A_344 : i32
    %add3A_346 = arith.constant 98 : i32
    %add3A_347 = arith.addi %mul3A_345, %add3A_346 : i32
    %mul3A_348 = arith.constant 1024 : i32
    %mul3A_349 = arith.muli %add3A_347, %mul3A_348 : i32
    %multiple_of3A_350 = tpu.assume_multiple %mul3A_349, 1024 : i32
    %dma_wait3A_351 = arith.constant 2048 : i32
    %dma_wait3A_352 = arith.constant 0 : i32
    %dma_wait3A_353 = tpu.memref_slice %arg6[%dma_wait3A_351, %dma_wait3A_352] : memref<4096x16xf32, #tpu.memory_space<vmem>> -> memref<1024x16xf32, #tpu.memory_space<vmem>>
    %dma_wait3A_354 = arith.constant 0 : i32
    %dma_wait3A_355 = tpu.memref_slice %arg4[%multiple_of3A_350, %dma_wait3A_354] : memref<3276800x16xf32, #tpu.memory_space<hbm>> -> memref<1024x16xf32, #tpu.memory_space<hbm>>
    %dma_wait3A_356 = arith.constant 0 : i32
    %dma_wait3A_357 = tpu.memref_slice %arg4[%multiple_of3A_350, %dma_wait3A_356] : memref<3276800x16xf32, #tpu.memory_space<hbm>> -> memref<1024x16xf32, #tpu.memory_space<hbm>>
    %dma_wait3A_358 = arith.constant 2048 : i32
    %dma_wait3A_359 = arith.constant 0 : i32
    %dma_wait3A_360 = tpu.memref_slice %arg6[%dma_wait3A_358, %dma_wait3A_359] : memref<4096x16xf32, #tpu.memory_space<vmem>> -> memref<1024x16xf32, #tpu.memory_space<vmem>>
    tpu.wait_dma2 semaphore(%arg17 : memref<!tpu.dma_semaphore, #tpu.memory_space<semaphore_mem>>) src(%dma_wait3A_360 : memref<1024x16xf32, #tpu.memory_space<vmem>>) dst(%dma_wait3A_357 : memref<1024x16xf32, #tpu.memory_space<hbm>>)
    %mul3A_361 = arith.constant 100 : i32
    %mul3A_362 = arith.muli %add3A, %mul3A_361 : i32
    %add3A_363 = arith.constant 99 : i32
    %add3A_364 = arith.addi %mul3A_362, %add3A_363 : i32
    %mul3A_365 = arith.constant 1024 : i32
    %mul3A_366 = arith.muli %add3A_364, %mul3A_365 : i32
    %multiple_of3A_367 = tpu.assume_multiple %mul3A_366, 1024 : i32
    %dma_wait3A_368 = arith.constant 3072 : i32
    %dma_wait3A_369 = arith.constant 0 : i32
    %dma_wait3A_370 = tpu.memref_slice %arg6[%dma_wait3A_368, %dma_wait3A_369] : memref<4096x16xf32, #tpu.memory_space<vmem>> -> memref<1024x16xf32, #tpu.memory_space<vmem>>
    %dma_wait3A_371 = arith.constant 0 : i32
    %dma_wait3A_372 = tpu.memref_slice %arg4[%multiple_of3A_367, %dma_wait3A_371] : memref<3276800x16xf32, #tpu.memory_space<hbm>> -> memref<1024x16xf32, #tpu.memory_space<hbm>>
    %dma_wait3A_373 = arith.constant 0 : i32
    %dma_wait3A_374 = tpu.memref_slice %arg4[%multiple_of3A_367, %dma_wait3A_373] : memref<3276800x16xf32, #tpu.memory_space<hbm>> -> memref<1024x16xf32, #tpu.memory_space<hbm>>
    %dma_wait3A_375 = arith.constant 3072 : i32
    %dma_wait3A_376 = arith.constant 0 : i32
    %dma_wait3A_377 = tpu.memref_slice %arg6[%dma_wait3A_375, %dma_wait3A_376] : memref<4096x16xf32, #tpu.memory_space<vmem>> -> memref<1024x16xf32, #tpu.memory_space<vmem>>
    tpu.wait_dma2 semaphore(%arg18 : memref<!tpu.dma_semaphore, #tpu.memory_space<semaphore_mem>>) src(%dma_wait3A_377 : memref<1024x16xf32, #tpu.memory_space<vmem>>) dst(%dma_wait3A_374 : memref<1024x16xf32, #tpu.memory_space<hbm>>)
    %mul3A_378 = arith.constant 100 : i32
    %mul3A_379 = arith.muli %add3A, %mul3A_378 : i32
    %add3A_380 = arith.constant 100 : i32
    %add3A_381 = arith.addi %mul3A_379, %add3A_380 : i32
    %min3A_382 = arith.constant 3199 : i32
    %min3A_383 = arith.minsi %add3A_381, %min3A_382 : i32
    %dma_wait3A_384 = arith.constant 0 : i32
    %dma_wait3A_385 = arith.constant 0 : i32
    %dma_wait3A_386 = tpu.memref_slice %arg5[%dma_wait3A_384, %dma_wait3A_385] : memref<4x1024xi32, #tpu.memory_space<vmem>> -> memref<1x1024xi32, #tpu.memory_space<vmem>>
    %dma_wait3A_387 = arith.constant 0 : i32
    %dma_wait3A_388 = tpu.memref_slice %arg2[%min3A_383, %dma_wait3A_387] : memref<3200x1024xi32, #tpu.memory_space<hbm>> -> memref<1x1024xi32, #tpu.memory_space<hbm>>
    %dma_wait3A_389 = arith.constant 0 : i32
    %dma_wait3A_390 = arith.constant 0 : i32
    %dma_wait3A_391 = tpu.memref_slice %arg5[%dma_wait3A_389, %dma_wait3A_390] : memref<4x1024xi32, #tpu.memory_space<vmem>> -> memref<1x1024xi32, #tpu.memory_space<vmem>>
    %dma_wait3A_392 = arith.constant 0 : i32
    %dma_wait3A_393 = tpu.memref_slice %arg2[%min3A_383, %dma_wait3A_392] : memref<3200x1024xi32, #tpu.memory_space<hbm>> -> memref<1x1024xi32, #tpu.memory_space<hbm>>
    tpu.wait_dma2 semaphore(%arg7 : memref<!tpu.dma_semaphore, #tpu.memory_space<semaphore_mem>>) src(%dma_wait3A_393 : memref<1x1024xi32, #tpu.memory_space<hbm>>) dst(%dma_wait3A_391 : memref<1x1024xi32, #tpu.memory_space<vmem>>)
    %mul3A_394 = arith.constant 100 : i32
    %mul3A_395 = arith.muli %add3A, %mul3A_394 : i32
    %add3A_396 = arith.constant 101 : i32
    %add3A_397 = arith.addi %mul3A_395, %add3A_396 : i32
    %min3A_398 = arith.constant 3199 : i32
    %min3A_399 = arith.minsi %add3A_397, %min3A_398 : i32
    %dma_wait3A_400 = arith.constant 1 : i32
    %dma_wait3A_401 = arith.constant 0 : i32
    %dma_wait3A_402 = tpu.memref_slice %arg5[%dma_wait3A_400, %dma_wait3A_401] : memref<4x1024xi32, #tpu.memory_space<vmem>> -> memref<1x1024xi32, #tpu.memory_space<vmem>>
    %dma_wait3A_403 = arith.constant 0 : i32
    %dma_wait3A_404 = tpu.memref_slice %arg2[%min3A_399, %dma_wait3A_403] : memref<3200x1024xi32, #tpu.memory_space<hbm>> -> memref<1x1024xi32, #tpu.memory_space<hbm>>
    %dma_wait3A_405 = arith.constant 1 : i32
    %dma_wait3A_406 = arith.constant 0 : i32
    %dma_wait3A_407 = tpu.memref_slice %arg5[%dma_wait3A_405, %dma_wait3A_406] : memref<4x1024xi32, #tpu.memory_space<vmem>> -> memref<1x1024xi32, #tpu.memory_space<vmem>>
    %dma_wait3A_408 = arith.constant 0 : i32
    %dma_wait3A_409 = tpu.memref_slice %arg2[%min3A_399, %dma_wait3A_408] : memref<3200x1024xi32, #tpu.memory_space<hbm>> -> memref<1x1024xi32, #tpu.memory_space<hbm>>
    tpu.wait_dma2 semaphore(%arg8 : memref<!tpu.dma_semaphore, #tpu.memory_space<semaphore_mem>>) src(%dma_wait3A_409 : memref<1x1024xi32, #tpu.memory_space<hbm>>) dst(%dma_wait3A_407 : memref<1x1024xi32, #tpu.memory_space<vmem>>)
    return
  }
}

</mosaic_0001>

<sc_bundles>
// kernel: kernel.3.cloned.1.call-start
scs
__scs_entry_jumppad:
0x0: {  	(pc) =	sbr.rel $0x88, $3  }
0x1: {  	(tag) =	ssettag $0x0;
	lr =	simm.s32 $0x1  }
0x2: {  	[smem:$0x3F9F] =	sst lr;
	_ =	strace $0xD0000000  }
0x3: {  	_ = 	snop  }
0x4: {  	_ = 	snop  }
0x5: {  	_ = 	snop  }
0x6: {  	_ = 	snop  }
0x7: {  	_ = 	snop  }
__scs_overlays_trampoline_lowered:
0x8: {  	[smem:$0x3FAE] =	sst s0  }
0x9: {  	[smem:$0x3FAF] =	sst s1  }
0xa: {  	[smem:$0x3FB0] =	sst s2  }
0xb: {  	[smem:$0x3FB1] =	sst s3  }
0xc: {  	[smem:$0x3FB2] =	sst s4  }
0xd: {  	[smem:$0x3FB3] =	sst s5  }
0xe: {  	[smem:$0x3FB4] =	sst s6  }
0xf: {  	[smem:$0x3FB5] =	sst s7  }
0x10: {  	[smem:$0x3FB6] =	sst s8  }
0x11: {  	[smem:$0x3FB7] =	sst s9;
	s0 =	simm.s32 @!p0 $0x0  }
0x12: {  	s1 =	sld [smem:$0x3F9D];
	s0 =	simm.s32 @p0 $0x1  }
0x13: {  	[smem:$0x3FB8] =	sst s0;
	s0 =	simm.s32 @!p1 $0x0  }
0x14: {  	s2 =	sld [smem:$0x3F9C];
	s0 =	simm.s32 @p1 $0x1  }
0x15: {  	[smem:$0x3FB9] =	sst s0;
	s0 =	simm.s32 @!p2 $0x0  }
0x16: {  	s3 =	sld [smem:$0x3FDB];
	s0 =	simm.s32 @p2 $0x1  }
0x17: {  	s4 =	simm.s32 $0x1BF5;
	[smem:$0x3FBB] =	sst s0  }
0x18: {  	s0 =	sld [smem:$0x3F9E];
	_ =	swait.ge [sflag:s4], $0x0  }
0x19: {  	s7 =	sld [smem:$0x3F9F]  }
0x1a: {  	s8 =	sadd.s32 $0xFFFFE003, lr  }
0x1b: {  	s9 =	sadd.s32 $0xFFFFFEF7, lr;
	s5 =	simm.s32 $0xFFFFFFFF;
	p2 =	slt.u32 s8, $0xFFFFF086  }
0x1c: {  	p1 =	slt.u32 s9, $0xF7A;
	s5 =	simm.s32 @!p2 $0x0  }
0x1d: {  	s5 =	simm.s32 @p1 $0x1;
	p0 =	seq.s32 s7, s2  }
0x1e: {  	s7 =	smul.u32 @!p0 $0xF7A, s2;
	p2 =	seq.s32 @!p0 s5, $0x0  }
0x1f: {  	s9 =	smul.u32 $0xF7A, s1;
	s8 =	simm.s32 @!p0 $0x1BF5;
	p2 =	por !p2, p0  }
0x20: {  	[sflag:s8] =	ssyncset.s32 @!p0 $0xFFFFF086;
	s6 =	sadd.s32 @!p0 s3, s7;
	s7 =	simm.s32 @!p0 $0x108  }
0x21: {  	s3 =	sadd.s32 s3, s9;
	s6 =	sadd.s32 @!p0 $0x88, s6;
	s7 =	simm.s32 @p2 $0x1082  }
0x22: {  	[simem:s7], [sflag:s8] =	dma.local @!p0 [hbm:s6], $0xF7A  }
0x23: {  	s9 =	sor.u32 $0xD0000000, s2;
	s6 =	simm.s32 $0x108;
	_ =	swait.ge @!p0 [sflag:s8], $0x0  }
0x24: {  	s3 =	sadd.s32 $0x88, s3;
	s6 =	simm.s32 @!p1 $0x1082;
	[sflag:s4] =	ssyncset.s32 $0xFFFFF086  }
0x25: {  	[simem:s6], [sflag:s4] =	dma.local [hbm:s3], $0xF7A  }
0x26: {  	[smem:$0x3F9F] =	sst s1;
	(tag) =	ssettag s2;
	_ =	strace s9  }
0x27: {  	s1 =	sld [smem:$0x3FAF]  }
0x28: {  	s2 =	sld [smem:$0x3FB0]  }
0x29: {  	s4 =	sld [smem:$0x3FB2]  }
0x2a: {  	p0 =	seq.s32 s5, $0x0;
	s5 =	sld [smem:$0x3FB3]  }
0x2b: {  	s6 =	sld [smem:$0x3FB4]  }
0x2c: {  	s7 =	sld [smem:$0x3FB5]  }
0x2d: {  	s3 =	simm.s32 $0x108;
	s8 =	sld [smem:$0x3FB6]  }
0x2e: {  	s3 =	simm.s32 @!p0 $0x1082;
	s9 =	sld [smem:$0x3FB7]  }
0x2f: {  	lr =	sadd.s32 s0, s3;
	s0 =	sld [smem:$0x3FAE]  }
0x30: {  	s3 =	sld [smem:$0x3FB1]  }
0x31: {  	[smem:$0x3FBA] =	sst s10  }
0x32: {  	s10 =	sld [smem:$0x3FB8];
	_ =	sdelay $0x3  }
0x33: {  	p0 =	seq.s32 s10, $0x1;
	s10 =	sld [smem:$0x3FBA];
	_ =	sdelay $0x3  }
0x34: {  	[smem:$0x3FBA] =	sst s10  }
0x35: {  	s10 =	sld [smem:$0x3FB9];
	_ =	sdelay $0x3  }
0x36: {  	p1 =	seq.s32 s10, $0x1;
	s10 =	sld [smem:$0x3FBA];
	_ =	sdelay $0x3  }
0x37: {  	[smem:$0x3FBA] =	sst s10  }
0x38: {  	s10 =	sld [smem:$0x3FBB]  }
0x39: {  	_ = 	snop;
	(pc) =	sbr.ind lr, $3  }
0x3a: {  	_ = 	snop  }
0x3b: {  	_ = 	snop  }
0x3c: {  	p2 =	seq.s32 s10, $0x1;
	s10 =	sld [smem:$0x3FBA]  }
0x3d: {  	_ =	shalt  }
0x3e: {  	_ =	shalt  }
0x3f: {  	_ =	shalt  }
0x40: {  	_ =	shalt  }
0x41: {  	_ =	shalt  }
0x42: {  	_ =	shalt  }
0x43: {  	_ =	shalt  }
0x44: {  	_ =	shalt  }
0x45: {  	_ =	shalt  }
0x46: {  	_ =	shalt  }
0x47: {  	_ =	shalt  }
0x48: {  	_ =	shalt  }
0x49: {  	_ =	shalt  }
0x4a: {  	_ =	shalt  }
0x4b: {  	_ =	shalt  }
0x4c: {  	_ =	shalt  }
0x4d: {  	_ =	shalt  }
0x4e: {  	_ =	shalt  }
0x4f: {  	_ =	shalt  }
0x50: {  	_ =	shalt  }
0x51: {  	_ =	shalt  }
0x52: {  	_ =	shalt  }
0x53: {  	_ =	shalt  }
0x54: {  	_ =	shalt  }
0x55: {  	_ =	shalt  }
0x56: {  	_ =	shalt  }
0x57: {  	_ =	shalt  }
0x58: {  	_ =	shalt  }
0x59: {  	_ =	shalt  }
0x5a: {  	_ =	shalt  }
0x5b: {  	_ =	shalt  }
0x5c: {  	_ =	shalt  }
0x5d: {  	_ =	shalt  }
0x5e: {  	_ =	shalt  }
0x5f: {  	_ =	shalt  }
0x60: {  	_ =	shalt  }
0x61: {  	_ =	shalt  }
0x62: {  	_ =	shalt  }
0x63: {  	_ =	shalt  }
0x64: {  	_ =	shalt  }
0x65: {  	_ =	shalt  }
0x66: {  	_ =	shalt  }
0x67: {  	_ =	shalt  }
0x68: {  	_ =	shalt  }
0x69: {  	_ =	shalt  }
0x6a: {  	_ =	shalt  }
0x6b: {  	_ =	shalt  }
0x6c: {  	_ =	shalt  }
0x6d: {  	_ =	shalt  }
0x6e: {  	_ =	shalt  }
0x6f: {  	_ =	shalt  }
0x70: {  	_ =	shalt  }
0x71: {  	_ =	shalt  }
0x72: {  	_ =	shalt  }
0x73: {  	_ =	shalt  }
0x74: {  	_ =	shalt  }
0x75: {  	_ =	shalt  }
0x76: {  	_ =	shalt  }
0x77: {  	_ =	shalt  }
0x78: {  	_ =	shalt  }
0x79: {  	_ =	shalt  }
0x7a: {  	_ =	shalt  }
0x7b: {  	_ =	shalt  }
0x7c: {  	_ =	shalt  }
0x7d: {  	_ =	shalt  }
0x7e: {  	_ =	shalt  }
0x7f: {  	_ =	shalt  }
0x80: {  	_ =	shalt  }
0x81: {  	_ =	shalt  }
0x82: {  	_ =	shalt  }
0x83: {  	_ =	shalt  }
0x84: {  	_ =	shalt  }
0x85: {  	_ =	shalt  }
0x86: {  	_ =	shalt  }
0x87: {  	_ =	shalt  }
.Lfunc_end0:
.L_simem_size_0:
called_computation.1_lowered:
.L_overlay_start_0:
0x88: {  	s2 =	sld [smem:$0x3FD9]  }
0x89: {  	s3 =	sld [smem:$0x3FFE];
	_ =	sdelay $0x1  }
0x8a: {  	s1 =	srdreg.scid  }
0x8b: {  	s0 =	sand.u32 $0x1, s1  }
0x8c: {  	s17 =	sshll.u32 s0, $0xA;
	s2 =	sadd.s32 s3, s2  }
0x8d: {  	s2 =	sadd.s32 s2, s17  }
0x8e: {  	[smem:$0x3FC6] =	sst s2  }
0x8f: {  	_ = 	snop  }
0x90: {  	s2 =	sld [smem:$0x3FD0];
	(tm) =	ssettm $0x1  }
0x91: {  	s18 =	sld [smem:$0x3FFB];
	_ =	sdelay $0x3  }
0x92: {  	_ =	strace s18  }
0x93: {  	s3 =	sld [smem:$0x3FFC];
	_ =	sdelay $0x3  }
0x94: {  	_ =	strace s3  }
0x95: {  	s3 =	sld [smem:$0x3FFD];
	_ =	sdelay $0x3  }
0x96: {  	_ =	strace s3  }
0x97: {  	_ =	strace $0x8FFFFFFF  }
0x98: {  	s19 =	sld [smem:$0x3FDB];
	_ =	sdelay $0x1  }
0x99: {  	s4 =	simm.s32 $_scs_section_size  }
0x9a: {  	s5 =	simm.s32 $_size__tile_overlayer_lowered;
	s6 =	simm.s32 $_tile_overlayer_lowered  }
0x9b: {  	s22 =	simm.s32 $0x1BFF;
	s21 =	sshll.u32 s6, $0x1;
	s3 =	sadd.s32 s4, s19  }
0x9c: {  	s7 =	simm.s32 $0x0;
	s20 =	sshll.u32 s5, $0x1;
	s5 =	sadd.s32 s21, s3  }
0x9d: {  	[timem:s7], [sflag:s22] =	dma.local [hbm:s5], s20  }
0x9e: {  	_ =	swait.ge [sflag:s22], s20  }
0x9f: {  	s4 =	ssub.s32 $0x0, s20;
	[sflag:s22] =	ssyncset.done $0x0  }
0xa0: {  	[sflag:s22] =	ssyncadd.s32 s4;
	_ =	sdelay $0x1  }
0xa1: {  	s23 =	simm.s32 $0x1B8B  }
0xa2: {  	_ =	swait.ge [sflag:s23], $0x1  }
0xa3: {  	[sflag:s23] =	ssyncset.done $0x0  }
0xa4: {  	s25 =	simm.s32 $0x1B8E;
	s24 =	sld [smem:$0x3FFE];
	[sflag:s23] =	ssyncadd.s32 $0xFFFFFFFF  }
0xa5: {  	s26 =	simm.s32 $execute0_lowered;
	[smem:$0x3FD2] =	sst s25  }
0xa6: {  	s5 =	sshll.u32 s26, $0x1;
	_ =	strace $0x80000046;
	[dreg:$0x1] =	wrdreg $0xFFFFFFFF  }
0xa7: {  	s28 =	simm.s32 $_size_execute0_lowered;
	s3 =	sadd.s32 s3, s5;
	[dreg:$0x0] =	wrdreg $0x0  }
0xa8: {  	s5 =	sshll.u32 s28, $0x1;
	[dreg:$0x2] =	wrdreg s3  }
0xa9: {  	[dreg:$0x3] =	wrdreg s5  }
0xaa: {  	[dreg:$0x4] =	wrdreg $0xC0  }
0xab: {  	_ =	task [dreg:s7], $0x5FFFF  }
0xac: {  	[dreg:$0x1] =	wrdreg $0xFFFFFFFF  }
0xad: {  	[dreg:$0x0] =	wrdreg $0x60  }
0xae: {  	[dreg:$0x2] =	wrdreg s24  }
0xaf: {  	[dreg:$0x3] =	wrdreg s2  }
0xb0: {  	[dreg:$0x4] =	wrdreg $0x9  }
0xb1: {  	_ =	task.clear_ibuf [dreg:s7], $0x5FFFF;
	_ =	strace $0x90000046  }
0xb2: {  	s29 =	simm.s32 $0x9;
	_ =	strace $0x80000048  }
0xb3: {  	_ =	swait.ge [sflag:s29], $0x1  }
0xb4: {  	[sflag:s29] =	ssyncadd.s32 $0xFFFFFFFF  }
0xb5: {  	_ =	strace $0x90000048  }
0xb6: {  	_ =	sfence  }
0xb7: {  	s30 =	sld [smem:$0x0];
	_ =	sdelay $0x2  }
0xb8: {  	s31 =	sshll.u32 s1, $0xD;
	s1 =	sshrl.u32 s1, $0x2  }
0xb9: {  	s3 =	sand.u32 $0x4000, s31;
	s1 =	sadd.s32 s1, s30  }
0xba: {  	s0 =	sor.u32 s3, s0;
	s1 =	sshll.u32 s1, $0x11  }
0xbb: {  	s0 =	sor.u32 s1, s0  }
0xbc: {  	s0 =	sadd.s32 $0x8F2B, s0  }
0xbd: {  	[sflag:s0] =	ssyncadd.remote.s32 $0x1  }
0xbe: {  	_ =	sfence.sel $0xFFFF  }
0xbf: {  	[dreg:$0x0] =	wrdreg $0xFFFFFFFF;
	(pc) =	sbr.abs _section_cstart, $3  }
0xc0: {  	[dreg:$0x1] =	wrdreg $0xFFFFFFFF  }
0xc1: {  	_ =	task.clear_ibuf [dreg:s7], $0x2FFFF;
	_ =	strace $0x9FFFFFFF  }
0xc2: {  	(tm) =	ssettm $0x7FFFFFFF  }
0xc3: {  	_ =	shalt  }
tec
execute0_lowered:
.L_overlay_start_1:
0x0: {  	(tag) =	ssettag $0x1  }
0x1: {  	s0 =	rddreg [dreg:$0x0];
	s1 =	srdreg.scid  }
0x2: {  	s11 =	stileid.u32;
	s5 =	rddreg [dreg:$0x1]  }
0x3: {  	s2 =	simm.s32 $0x0;
	s28 =	simm.s32 $0x5;
	s15 =	smul.u32 $0xC8, s11  }
0x4: {  	s29 =	simm.s32 $0x4;
	s1 =	sand.u32 $0x1, s1;
	s22 =	smul.u32 $0x6400, s11  }
0x5: {  	s30 =	simm.s32 $0xD000;
	s3 =	sshll.u32 s11, $0x1;
	s17 =	smul.u32 $0x64, s1  }
0x6: {  	s6 =	sor.u32 s1, s3;
	s8 =	ssub.s32 $0x2, s1;
	s1 =	smul.u32 $0x3200, s1  }
0x7: {  	[smem:$0x7FF] =	sst s2;
	s4 =	sadd.s32 $0xFA6C00, s0;
	s7 =	smul.u32 $0x64, s6  }
0x8: {  	s31 =	simm.s32 $0x6;
	_ =	strace $0x80000047;
	s9 =	smul.u32 $0x3200, s6  }
0x9: {  	s3 =	sadd.s32 $0x800, s0;
	s25 =	sshrl.u32 s8, $0x1;
	s10 =	smul.u32 $0x32000, s6  }
0xa: {  	s6 =	smul.u32 $0x190000, s6;
	s0 =	ssub.s32 s8, s25;
	s12 =	sadd.s32 s3, s9  }
0xb: {  	s26 =	sor.u32 $0x1, s7;
	s7 =	sshll.u32 s7, $0x7;
	s16 =	sadd.s32 s5, s10  }
0xc: {  	s6 =	sshrl.u32 s6, $0x3;
	s0 =	smax.u32 s0, $0x1;
	[dreg:$0xb] =	wrdreg s16  }
0xd: {  	s10 =	simm.s32 $0x0;
	s13 =	sshll.u32 s26, $0x7;
	[dreg:$0x7] =	wrdreg s12  }
0xe: {  	s7 =	sadd.s32 s7, s3;
	s18 =	sadd.s32 $0x200, s12;
	[dreg:$0x11] =	wrdreg s0  }
0xf: {  	s8 =	sshll.u32 s26, $0xB;
	s19 =	sadd.s32 $0x280, s12;
	[dreg:$0xc] =	wrdreg s18  }
0x10: {  	s6 =	sadd.s32 s5, s6;
	s9 =	sadd.s32 s3, s13;
	[dreg:$0xe] =	wrdreg s19  }
0x11: {  	s0 =	sadd.s32 s22, s3;
	s14 =	sadd.s32 $0x100, s7;
	[dreg:$0x8] =	wrdreg s9  }
0x12: {  	s22 =	simm.s32 $0x1000;
	s7 =	sadd.s32 $0x180, s7;
	[dreg:$0x9] =	wrdreg s14  }
0x13: {  	s8 =	sadd.s32 s5, s8;
	s20 =	sadd.s32 $0x31000, s6;
	[dreg:$0xa] =	wrdreg s7  }
0x14: {  	s6 =	sadd.s32 $0x31800, s6;
	s0 =	sadd.s32 s1, s0;
	[dreg:$0xd] =	wrdreg s8  }
0x15: {  	s18 =	simm.s32 $0x400;
	s19 =	simm.s32 $0x800;
	[dreg:$0xf] =	wrdreg s20  }
0x16: {  	s1 =	simm.s32 $0x9;
	s7 =	sadd.s32 s17, s15;
	[dreg:$0x10] =	wrdreg s6  }
0x17: {  	s0 =	sadd.s32 $0x380, s0;
	s20 =	simm.s32 $0xC00;
	s21 =	sshll.u32 s7, $0xB  }
0x18: {  	s8 =	simm.s32 $0xB;
	s9 =	simm.s32 $0xC;
	s6 =	sadd.s32 s21, s5  }
0x19: {  	[dreg:$0x12] =	wrdreg s0;
	s0 =	simm.s32 $0x7;
	s23 =	sadd.s32 $0x1800, s6  }
0x1a: {  	s5 =	sadd.s32 $0x9, s7;
	s24 =	sadd.s32 $0x2800, s6;
	[dreg:$0x3] =	wrdreg s23  }
0x1b: {  	s21 =	simm.s32 $0x1;
	s25 =	sadd.s32 $0x1000, s6;
	[dreg:$0x4] =	wrdreg s24  }
0x1c: {  	s7 =	simm.s32 $0x8;
	s26 =	sadd.s32 $0x2000, s6;
	[dreg:$0x5] =	wrdreg s25  }
0x1d: {  	s6 =	simm.s32 $0xA;
	[dreg:$0x6] =	wrdreg s26;
	s23 =	simm.s32 $0x2  }
0x1e: {  	s24 =	simm.s32 $0x5000;
	s25 =	simm.s32 $0x3;
	s26 =	simm.s32 $0x9000  }
.LBB2_1:
0x1f: {  	s11 =	rddreg [dreg:$0x7]  }
0x20: {  	[tilespmem:s2], [sflag:$0x1] =	stream.linear.gather [hbm4b:s11+s2], $0x400, $0x38;
	[tilespmem:$0x11000] =	vst v63  }
0x21: {  	s15 =	rddreg [dreg:$0x8]  }
0x22: {  	[tilespmem:s18], [sflag:$0x2] =	stream.linear.gather [hbm4b:s15+s2], $0x400, $0x38;
	[tilespmem:$0x11000] =	vst v63  }
0x23: {  	s16 =	rddreg [dreg:$0x9]  }
0x24: {  	[tilespmem:s19], [sflag:$0x3] =	stream.linear.gather [hbm4b:s16+s2], $0x400, $0x38;
	[tilespmem:$0x11000] =	vst v63  }
0x25: {  	s17 =	rddreg [dreg:$0xa]  }
0x26: {  	[tilespmem:s20], [sflag:$0x4] =	stream.linear.gather [hbm4b:s17+s2], $0x400, $0x38;
	[tilespmem:$0x11000] =	vst v63  }
0x27: {  	_ =	swait.ge [sflag:s21], $0x400  }
0x28: {  	[sflag:s21] =	ssyncset.done $0x0  }
0x29: {  	[sflag:s21] =	ssyncadd.s32 $0xFFFFFC00  }
0x2a: {  	[tilespmem:s22], [sflag:$0x5] =	stream.indirect.gather [hbm4b:s4+s18], $0x10, s2, s18, $0xb8;
	[tilespmem:$0x11000] =	vst v63  }
0x2b: {  	_ =	swait.ge [sflag:s23], $0x400  }
0x2c: {  	[sflag:s23] =	ssyncset.done $0x0  }
0x2d: {  	[sflag:s23] =	ssyncadd.s32 $0xFFFFFC00  }
0x2e: {  	[tilespmem:s24], [sflag:$0x6] =	stream.indirect.gather [hbm4b:s4+s18], $0x10, s18, s18, $0xb8;
	[tilespmem:$0x11000] =	vst v63  }
0x2f: {  	_ =	swait.ge [sflag:s25], $0x400  }
0x30: {  	[sflag:s25] =	ssyncset.done $0x0  }
0x31: {  	[sflag:s25] =	ssyncadd.s32 $0xFFFFFC00  }
0x32: {  	[tilespmem:s26], [sflag:$0x7] =	stream.indirect.gather [hbm4b:s4+s18], $0x10, s19, s18, $0xb8;
	[tilespmem:$0x11000] =	vst v63  }
0x33: {  	_ =	swait.ge [sflag:s28], $0x4000  }
0x34: {  	[sflag:s28] =	ssyncset.done $0x0  }
0x35: {  	s12 =	rddreg [dreg:$0xb];
	[sflag:s28] =	ssyncadd.s32 $0xFFFFC000  }
0x36: {  	[hbm4b:s12+s2] =	stream.linear.scatter [tilespmem:s22], [sflag:$0x9], $0x4000, $0x38;
	[tilespmem:$0x11000] =	vst v63  }
0x37: {  	s13 =	rddreg [dreg:$0xc]  }
0x38: {  	[tilespmem:s2], [sflag:$0x1] =	stream.linear.gather [hbm4b:s13+s2], $0x400, $0x38;
	[tilespmem:$0x11000] =	vst v63  }
0x39: {  	_ =	swait.ge [sflag:s29], $0x400  }
0x3a: {  	[sflag:s29] =	ssyncset.done $0x0  }
0x3b: {  	[sflag:s29] =	ssyncadd.s32 $0xFFFFFC00  }
0x3c: {  	[tilespmem:s30], [sflag:$0x8] =	stream.indirect.gather [hbm4b:s4+s18], $0x10, s20, s18, $0xb8;
	[tilespmem:$0x11000] =	vst v63  }
0x3d: {  	_ =	swait.ge [sflag:s31], $0x4000  }
0x3e: {  	[sflag:s31] =	ssyncset.done $0x0  }
0x3f: {  	s14 =	rddreg [dreg:$0xd];
	[sflag:s31] =	ssyncadd.s32 $0xFFFFC000  }
0x40: {  	[hbm4b:s14+s2] =	stream.linear.scatter [tilespmem:s24], [sflag:$0xA], $0x4000, $0x38;
	[tilespmem:$0x11000] =	vst v63  }
0x41: {  	s15 =	rddreg [dreg:$0xe]  }
0x42: {  	[tilespmem:s18], [sflag:$0x2] =	stream.linear.gather [hbm4b:s15+s2], $0x400, $0x38;
	[tilespmem:$0x11000] =	vst v63  }
0x43: {  	s16 =	rddreg [dreg:$0x6];
	_ =	swait.ge [sflag:s1], $0x4000  }
0x44: {  	[sflag:s1] =	ssyncset.done $0x0  }
0x45: {  	[sflag:s1] =	ssyncadd.s32 $0xFFFFC000  }
0x46: {  	_ =	swait.ge [sflag:s21], $0x400  }
0x47: {  	[sflag:s21] =	ssyncset.done $0x0  }
0x48: {  	[sflag:s21] =	ssyncadd.s32 $0xFFFFFC00  }
0x49: {  	[tilespmem:s22], [sflag:$0x5] =	stream.indirect.gather [hbm4b:s4+s18], $0x10, s2, s18, $0xb8;
	[tilespmem:$0x11000] =	vst v63  }
0x4a: {  	_ =	swait.ge [sflag:s0], $0x4000  }
0x4b: {  	s12 =	rddreg [dreg:$0x5];
	[sflag:s0] =	ssyncset.done $0x0  }
0x4c: {  	s14 =	rddreg [dreg:$0x12];
	[sflag:s0] =	ssyncadd.s32 $0xFFFFC000;
	s12 =	sadd.s32 $0x0, s12  }
0x4d: {  	[hbm4b:s12+s2] =	stream.linear.scatter [tilespmem:s26], [sflag:$0xB], $0x4000, $0x38;
	[tilespmem:$0x11000] =	vst v63  }
0x4e: {  	s17 =	sadd.s32 $0xFFFFFF80, s14  }
0x4f: {  	[tilespmem:s19], [sflag:$0x3] =	stream.linear.gather [hbm4b:s17+s2], $0x400, $0x38;
	[tilespmem:$0x11000] =	vst v63  }
0x50: {  	s13 =	rddreg [dreg:$0x4];
	_ =	swait.ge [sflag:s6], $0x4000  }
0x51: {  	[sflag:s6] =	ssyncset.done $0x0  }
0x52: {  	[sflag:s6] =	ssyncadd.s32 $0xFFFFC000  }
0x53: {  	_ =	swait.ge [sflag:s23], $0x400  }
0x54: {  	[sflag:s23] =	ssyncset.done $0x0  }
0x55: {  	[sflag:s23] =	ssyncadd.s32 $0xFFFFFC00  }
0x56: {  	[tilespmem:s24], [sflag:$0x6] =	stream.indirect.gather [hbm4b:s4+s18], $0x10, s18, s18, $0xb8;
	[tilespmem:$0x11000] =	vst v63  }
0x57: {  	_ =	swait.ge [sflag:s7], $0x4000  }
0x58: {  	s15 =	rddreg [dreg:$0x3];
	[sflag:s7] =	ssyncset.done $0x0  }
0x59: {  	[sflag:s7] =	ssyncadd.s32 $0xFFFFC000;
	s12 =	sadd.s32 $0x0, s15  }
0x5a: {  	[hbm4b:s12+s2] =	stream.linear.scatter [tilespmem:s30], [sflag:$0xC], $0x4000, $0x38;
	[tilespmem:$0x11000] =	vst v63  }
0x5b: {  	_ = 	snop  }
0x5c: {  	[tilespmem:s20], [sflag:$0x4] =	stream.linear.gather [hbm4b:s14+s2], $0x400, $0x38;
	[tilespmem:$0x11000] =	vst v63  }
0x5d: {  	_ =	swait.ge [sflag:s8], $0x4000  }
0x5e: {  	[sflag:s8] =	ssyncset.done $0x0  }
0x5f: {  	[sflag:s8] =	ssyncadd.s32 $0xFFFFC000  }
0x60: {  	_ =	swait.ge [sflag:s25], $0x400  }
0x61: {  	[sflag:s25] =	ssyncset.done $0x0  }
0x62: {  	s12 =	sadd.s32 $0xFFFFFFFF, s5;
	[sflag:s25] =	ssyncadd.s32 $0xFFFFFC00  }
0x63: {  	[tilespmem:s26], [sflag:$0x7] =	stream.indirect.gather [hbm4b:s4+s18], $0x10, s19, s18, $0xb8;
	[tilespmem:$0x11000] =	vst v63  }
0x64: {  	p0 =	slt.s32 s12, $0xC7F;
	_ =	swait.ge [sflag:s28], $0x4000  }
0x65: {  	s12 =	simm.s32 @!p0 $0xC7F;
	[sflag:s28] =	ssyncset.done $0x0  }
0x66: {  	s11 =	sadd.s32 $0x0, s16;
	s16 =	sshll.u32 s12, $0x7;
	[sflag:s28] =	ssyncadd.s32 $0xFFFFC000  }
0x67: {  	[hbm4b:s11+s2] =	stream.linear.scatter [tilespmem:s22], [sflag:$0x9], $0x4000, $0x38;
	[tilespmem:$0x11000] =	vst v63  }
0x68: {  	s11 =	sadd.s32 s3, s16  }
0x69: {  	[tilespmem:s2], [sflag:$0x1] =	stream.linear.gather [hbm4b:s11+s2], $0x400, $0x38;
	[tilespmem:$0x11000] =	vst v63  }
0x6a: {  	_ =	swait.ge [sflag:s9], $0x4000  }
0x6b: {  	[sflag:s9] =	ssyncset.done $0x0  }
0x6c: {  	[sflag:s9] =	ssyncadd.s32 $0xFFFFC000  }
0x6d: {  	_ =	swait.ge [sflag:s29], $0x400  }
0x6e: {  	[sflag:s29] =	ssyncset.done $0x0  }
0x6f: {  	p0 =	slt.s32 s5, $0xC7F;
	s12 =	smov.u32 s5;
	[sflag:s29] =	ssyncadd.s32 $0xFFFFFC00  }
0x70: {  	[tilespmem:s30], [sflag:$0x8] =	stream.indirect.gather [hbm4b:s4+s18], $0x10, s20, s18, $0xb8;
	[tilespmem:$0x11000] =	vst v63  }
0x71: {  	s17 =	sadd.s32 $0x0, s13;
	s12 =	simm.s32 @!p0 $0xC7F;
	_ =	swait.ge [sflag:s31], $0x4000  }
0x72: {  	s13 =	sshll.u32 s12, $0x7;
	s12 =	sadd.s32 $0x200, s14;
	[sflag:s31] =	ssyncset.done $0x0  }
0x73: {  	s16 =	smov.u32 s5;
	s11 =	simm.s32 $0x2000;
	[sflag:s31] =	ssyncadd.s32 $0xFFFFC000  }
0x74: {  	[hbm4b:s17+s2] =	stream.linear.scatter [tilespmem:s24], [sflag:$0xA], $0x4000, $0x38;
	[tilespmem:$0x11000] =	vst v63  }
.LBB2_2:
0x75: {  	s15 =	sadd.s32 s3, s13  }
0x76: {  	[tilespmem:s18], [sflag:$0x2] =	stream.linear.gather [hbm4b:s15+s2], $0x400, $0x38;
	[tilespmem:$0x11000] =	vst v63  }
0x77: {  	s14 =	rddreg [dreg:$0x6];
	_ =	swait.ge [sflag:s1], $0x4000  }
0x78: {  	[sflag:s1] =	ssyncset.done $0x0  }
0x79: {  	[sflag:s1] =	ssyncadd.s32 $0xFFFFC000  }
0x7a: {  	_ =	swait.ge [sflag:s21], $0x400  }
0x7b: {  	[sflag:s21] =	ssyncset.done $0x0  }
0x7c: {  	[sflag:s21] =	ssyncadd.s32 $0xFFFFFC00  }
0x7d: {  	[tilespmem:s22], [sflag:$0x5] =	stream.indirect.gather [hbm4b:s4+s18], $0x10, s2, s18, $0xb8;
	[tilespmem:$0x11000] =	vst v63  }
0x7e: {  	_ =	swait.ge [sflag:s0], $0x4000  }
0x7f: {  	s13 =	smov.u32 s11;
	s17 =	rddreg [dreg:$0x5];
	[sflag:s0] =	ssyncset.done $0x0  }
0x80: {  	[sflag:s0] =	ssyncadd.s32 $0xFFFFC000;
	s15 =	sadd.s32 s13, s17  }
0x81: {  	[hbm4b:s15+s2] =	stream.linear.scatter [tilespmem:s26], [sflag:$0xB], $0x4000, $0x38;
	[tilespmem:$0x11000] =	vst v63  }
0x82: {  	s17 =	sadd.s32 $0xFFFFFF80, s12  }
0x83: {  	[tilespmem:s19], [sflag:$0x3] =	stream.linear.gather [hbm4b:s17+s2], $0x400, $0x38;
	[tilespmem:$0x11000] =	vst v63  }
0x84: {  	s15 =	rddreg [dreg:$0x4];
	_ =	swait.ge [sflag:s6], $0x4000  }
0x85: {  	[sflag:s6] =	ssyncset.done $0x0  }
0x86: {  	[sflag:s6] =	ssyncadd.s32 $0xFFFFC000  }
0x87: {  	_ =	swait.ge [sflag:s23], $0x400  }
0x88: {  	[sflag:s23] =	ssyncset.done $0x0  }
0x89: {  	[sflag:s23] =	ssyncadd.s32 $0xFFFFFC00  }
0x8a: {  	[tilespmem:s24], [sflag:$0x6] =	stream.indirect.gather [hbm4b:s4+s18], $0x10, s18, s18, $0xb8;
	[tilespmem:$0x11000] =	vst v63  }
0x8b: {  	_ =	swait.ge [sflag:s7], $0x4000  }
0x8c: {  	s17 =	rddreg [dreg:$0x3];
	[sflag:s7] =	ssyncset.done $0x0  }
0x8d: {  	[sflag:s7] =	ssyncadd.s32 $0xFFFFC000;
	s17 =	sadd.s32 s13, s17  }
0x8e: {  	[hbm4b:s17+s2] =	stream.linear.scatter [tilespmem:s30], [sflag:$0xC], $0x4000, $0x38;
	[tilespmem:$0x11000] =	vst v63  }
0x8f: {  	_ = 	snop  }
0x90: {  	[tilespmem:s20], [sflag:$0x4] =	stream.linear.gather [hbm4b:s12+s2], $0x400, $0x38;
	[tilespmem:$0x11000] =	vst v63  }
0x91: {  	_ =	swait.ge [sflag:s8], $0x4000  }
0x92: {  	[sflag:s8] =	ssyncset.done $0x0  }
0x93: {  	[sflag:s8] =	ssyncadd.s32 $0xFFFFC000  }
0x94: {  	_ =	swait.ge [sflag:s25], $0x400  }
0x95: {  	s16 =	sadd.s32 $0x4, s16;
	[sflag:s25] =	ssyncset.done $0x0  }
0x96: {  	s17 =	sadd.s32 $0xFFFFFFFF, s16;
	[sflag:s25] =	ssyncadd.s32 $0xFFFFFC00  }
0x97: {  	[tilespmem:s26], [sflag:$0x7] =	stream.indirect.gather [hbm4b:s4+s18], $0x10, s19, s18, $0xb8;
	[tilespmem:$0x11000] =	vst v63  }
0x98: {  	p1 =	slt.s32 s17, $0xC7F;
	_ =	swait.ge [sflag:s28], $0x4000  }
0x99: {  	s17 =	simm.s32 @!p1 $0xC7F;
	[sflag:s28] =	ssyncset.done $0x0  }
0x9a: {  	s14 =	sadd.s32 s13, s14;
	s17 =	sshll.u32 s17, $0x7;
	[sflag:s28] =	ssyncadd.s32 $0xFFFFC000  }
0x9b: {  	[hbm4b:s14+s2] =	stream.linear.scatter [tilespmem:s22], [sflag:$0x9], $0x4000, $0x38;
	[tilespmem:$0x11000] =	vst v63  }
0x9c: {  	s14 =	sadd.s32 s3, s17  }
0x9d: {  	[tilespmem:s2], [sflag:$0x1] =	stream.linear.gather [hbm4b:s14+s2], $0x400, $0x38;
	[tilespmem:$0x11000] =	vst v63  }
0x9e: {  	_ =	swait.ge [sflag:s9], $0x4000  }
0x9f: {  	[sflag:s9] =	ssyncset.done $0x0  }
0xa0: {  	[sflag:s9] =	ssyncadd.s32 $0xFFFFC000  }
0xa1: {  	_ =	swait.ge [sflag:s29], $0x400  }
0xa2: {  	[sflag:s29] =	ssyncset.done $0x0  }
0xa3: {  	p0 =	sne.s32 s11, $0x2E000;
	[sflag:s29] =	ssyncadd.s32 $0xFFFFFC00  }
0xa4: {  	[tilespmem:s30], [sflag:$0x8] =	stream.indirect.gather [hbm4b:s4+s18], $0x10, s20, s18, $0xb8;
	[tilespmem:$0x11000] =	vst v63  }
.Ltmp0:
0xa5: {  	p1 =	slt.s32 s16, $0xC7F;
	(pc) =	sbr.rel @p0 .LBB2_2-.Ltmp0, $4  }
0xa6: {  	s17 =	sadd.s32 s13, s15;
	s13 =	smov.u32 s16;
	_ =	swait.ge [sflag:s31], $0x4000  }
0xa7: {  	s11 =	sadd.s32 $0x2000, s11;
	s13 =	simm.s32 @!p1 $0xC7F;
	[sflag:s31] =	ssyncset.done $0x0  }
0xa8: {  	s12 =	sadd.s32 $0x200, s12;
	s13 =	sshll.u32 s13, $0x7;
	[sflag:s31] =	ssyncadd.s32 $0xFFFFC000  }
0xa9: {  	[hbm4b:s17+s2] =	stream.linear.scatter [tilespmem:s24], [sflag:$0xA], $0x4000, $0x38;
	[tilespmem:$0x11000] =	vst v63  }
0xaa: {  	s11 =	sadd.s32 s3, s13  }
0xab: {  	[tilespmem:s18], [sflag:$0x2] =	stream.linear.gather [hbm4b:s11+s2], $0x400, $0x38;
	[tilespmem:$0x11000] =	vst v63  }
0xac: {  	_ =	swait.ge [sflag:s0], $0x4000  }
0xad: {  	[sflag:s0] =	ssyncset.done $0x0  }
0xae: {  	s15 =	rddreg [dreg:$0xf];
	[sflag:s0] =	ssyncadd.s32 $0xFFFFC000  }
0xaf: {  	[hbm4b:s15+s2] =	stream.linear.scatter [tilespmem:s26], [sflag:$0xB], $0x4000, $0x38;
	[tilespmem:$0x11000] =	vst v63  }
0xb0: {  	_ =	swait.ge [sflag:s7], $0x4000  }
0xb1: {  	[sflag:s7] =	ssyncset.done $0x0  }
0xb2: {  	s16 =	rddreg [dreg:$0x10];
	[sflag:s7] =	ssyncadd.s32 $0xFFFFC000  }
0xb3: {  	[hbm4b:s16+s2] =	stream.linear.scatter [tilespmem:s30], [sflag:$0xC], $0x4000, $0x38;
	[tilespmem:$0x11000] =	vst v63  }
0xb4: {  	_ =	swait.ge [sflag:s1], $0x4000  }
0xb5: {  	[sflag:s1] =	ssyncset.done $0x0  }
0xb6: {  	[sflag:s1] =	ssyncadd.s32 $0xFFFFC000  }
0xb7: {  	_ =	swait.ge [sflag:s6], $0x4000  }
0xb8: {  	[sflag:s6] =	ssyncset.done $0x0  }
0xb9: {  	[sflag:s6] =	ssyncadd.s32 $0xFFFFC000  }
0xba: {  	_ =	swait.ge [sflag:s8], $0x4000  }
0xbb: {  	[sflag:s8] =	ssyncset.done $0x0  }
0xbc: {  	[sflag:s8] =	ssyncadd.s32 $0xFFFFC000  }
0xbd: {  	_ =	swait.ge [sflag:s9], $0x4000  }
0xbe: {  	[sflag:s9] =	ssyncset.done $0x0  }
0xbf: {  	[sflag:s9] =	ssyncadd.s32 $0xFFFFC000  }
0xc0: {  	_ =	swait.ge [sflag:s21], $0x400  }
0xc1: {  	[sflag:s21] =	ssyncset.done $0x0  }
0xc2: {  	[sflag:s21] =	ssyncadd.s32 $0xFFFFFC00  }
0xc3: {  	_ =	swait.ge [sflag:s23], $0x400  }
0xc4: {  	s10 =	sadd.s32 $0x1, s10;
	s17 =	rddreg [dreg:$0x11]  }
0xc5: {  	p0 =	sne.s32 s10, s17  }
.Ltmp1:
0xc6: {  	_ = 	snop;
	(pc) =	sbr.rel @p0 .LBB2_1-.Ltmp1, $3  }
0xc7: {  	_ =	sdelay $0x1  }
0xc8: {  	[sflag:s23] =	ssyncset.done $0x0  }
0xc9: {  	[sflag:s23] =	ssyncadd.s32 $0xFFFFFC00  }
0xca: {  	_ =	sfence.sel $0x180000  }
0xcb: {  	[bflag:$0x0] =	sbarrier.arrive $0xFFFF  }
0xcc: {  	_ =	strace $0x90000047  }
0xcd: {  	s0 =	stileid.u32;
	[bflag:$0x2] =	sbarrier.arrive $0xFFFF  }
0xce: {  	p0 =	sne.s32 s0, $0x0;
	s0 =	rddreg [dreg:$0x2]  }
0xcf: {  	s0 =	sadd.s32 @!p0 $0x100000, s0  }
0xd0: {  	[sflag:s0] =	ssyncadd.tile.s32 @!p0 $0x1;
	_ =	shalt  }
.Lfunc_end2:
_tile_overlayer_lowered:
.L_overlay_start_2:
0xd1: {  	(tag) =	ssettag $0x2  }
0xd2: {  	s0 =	rddreg [dreg:$0x0];
	s2 =	stileid.u32  }
0xd3: {  	s1 =	rddreg [dreg:$0x1];
	p0 =	sne.s32 s2, $0x0  }
0xd4: {  	s3 =	rddreg [dreg:$0x2];
	[bflag:$0x3] =	sbarrier.arrive $0xFFFF;
	s2 =	simm.s32 @!p0 $0x1C0D  }
0xd5: {  	[timem:s3], [sflag:s2] =	dma.local @!p0 [hbm:s0], s1  }
0xd6: {  	s0 =	simm.s32 @!p0 $0xD  }
0xd7: {  	_ =	swait.ge @!p0 [sflag:s0], s1  }
0xd8: {  	s1 =	ssub.s32 @!p0 $0x0, s1;
	[sflag:s0] =	ssyncset.done @!p0 $0x0  }
0xd9: {  	[sflag:s0] =	ssyncadd.s32 @!p0 s1  }
0xda: {  	[bflag:$0x3] =	sbarrier.arrive $0xFFFF  }
0xdb: {  	_ =	shalt  }

// kernel: sparse-core-data-format-call.cloned.1.call-start
scs
called_computation_lowered:
.L_overlay_start_0:
0x0: {  	s2 =	sld [smem:$0x3FD9]  }
0x1: {  	s3 =	sld [smem:$0x3FFE];
	_ =	sdelay $0x1  }
0x2: {  	s1 =	srdreg.scid  }
0x3: {  	s0 =	sand.u32 $0x1, s1  }
0x4: {  	s18 =	sshll.u32 s0, $0xA;
	s2 =	sadd.s32 s3, s2  }
0x5: {  	s2 =	sadd.s32 s2, s18  }
0x6: {  	[smem:$0x3FC6] =	sst s2  }
0x7: {  	_ = 	snop  }
0x8: {  	s2 =	sld [smem:$0x3FD0];
	(tm) =	ssettm $0x1  }
0x9: {  	s19 =	sld [smem:$0x3FFB];
	_ =	sdelay $0x3  }
0xa: {  	_ =	strace s19  }
0xb: {  	s3 =	sld [smem:$0x3FFC];
	_ =	sdelay $0x3  }
0xc: {  	_ =	strace s3  }
0xd: {  	s3 =	sld [smem:$0x3FFD];
	_ =	sdelay $0x3  }
0xe: {  	_ =	strace s3  }
0xf: {  	_ =	strace $0x8FFFFFFF  }
0x10: {  	s20 =	sld [smem:$0x3FDB];
	_ =	sdelay $0x1  }
0x11: {  	s4 =	simm.s32 $_scs_section_size  }
0x12: {  	s5 =	simm.s32 $_size__tile_overlayer_lowered;
	s6 =	simm.s32 $_tile_overlayer_lowered  }
0x13: {  	s23 =	simm.s32 $0x1BFF;
	s22 =	sshll.u32 s6, $0x1;
	s3 =	sadd.s32 s4, s20  }
0x14: {  	s7 =	simm.s32 $0x0;
	s21 =	sshll.u32 s5, $0x1;
	s5 =	sadd.s32 s22, s3  }
0x15: {  	[timem:s7], [sflag:s23] =	dma.local [hbm:s5], s21  }
0x16: {  	_ =	swait.ge [sflag:s23], s21  }
0x17: {  	s4 =	ssub.s32 $0x0, s21;
	[sflag:s23] =	ssyncset.done $0x0  }
0x18: {  	[sflag:s23] =	ssyncadd.s32 s4;
	_ =	sdelay $0x1  }
0x19: {  	s24 =	simm.s32 $0x1B8B  }
0x1a: {  	_ =	swait.ge [sflag:s24], $0x1  }
0x1b: {  	[sflag:s24] =	ssyncset.done $0x0  }
0x1c: {  	s26 =	simm.s32 $0x1B8E;
	s25 =	sld [smem:$0x3FFE];
	[sflag:s24] =	ssyncadd.s32 $0xFFFFFFFF  }
0x1d: {  	s27 =	simm.s32 $execute0_lowered;
	[smem:$0x3FD2] =	sst s26  }
0x1e: {  	s5 =	sshll.u32 s27, $0x1;
	_ =	strace $0x80000049;
	[dreg:$0x1] =	wrdreg $0xFFFFFFFF  }
0x1f: {  	s28 =	simm.s32 $_size_execute0_lowered;
	s3 =	sadd.s32 s3, s5;
	[dreg:$0x0] =	wrdreg $0x0  }
0x20: {  	s5 =	sshll.u32 s28, $0x1;
	[dreg:$0x2] =	wrdreg s3  }
0x21: {  	[dreg:$0x3] =	wrdreg s5  }
0x22: {  	[dreg:$0x4] =	wrdreg $0xC0  }
0x23: {  	_ =	task [dreg:s7], $0x5FFFF  }
0x24: {  	[dreg:$0x1] =	wrdreg $0xFFFFFFFF  }
0x25: {  	[dreg:$0x0] =	wrdreg $0x60  }
0x26: {  	[dreg:$0x2] =	wrdreg s25  }
0x27: {  	[dreg:$0x3] =	wrdreg s2  }
0x28: {  	[dreg:$0x4] =	wrdreg $0x9  }
0x29: {  	_ =	task.clear_ibuf [dreg:s7], $0x5FFFF;
	_ =	strace $0x90000049  }
0x2a: {  	s29 =	simm.s32 $0x9;
	_ =	strace $0x8000004B  }
0x2b: {  	_ =	swait.ge [sflag:s29], $0x1  }
0x2c: {  	[sflag:s29] =	ssyncadd.s32 $0xFFFFFFFF  }
0x2d: {  	_ =	strace $0x9000004B  }
0x2e: {  	_ =	sfence  }
0x2f: {  	s30 =	sld [smem:$0x0];
	_ =	sdelay $0x2  }
0x30: {  	s31 =	sshll.u32 s1, $0xD;
	s1 =	sshrl.u32 s1, $0x2  }
0x31: {  	s3 =	sand.u32 $0x4000, s31;
	s1 =	sadd.s32 s1, s30  }
0x32: {  	s0 =	sor.u32 s3, s0;
	s1 =	sshll.u32 s1, $0x11  }
0x33: {  	s0 =	sor.u32 s1, s0  }
0x34: {  	s0 =	sadd.s32 $0x8F2B, s0  }
0x35: {  	[sflag:s0] =	ssyncadd.remote.s32 $0x1  }
0x36: {  	_ =	sfence.sel $0xFFFF  }
0x37: {  	[dreg:$0x0] =	wrdreg $0xFFFFFFFF;
	(pc) =	sbr.abs _section_cstart, $3  }
0x38: {  	[dreg:$0x1] =	wrdreg $0xFFFFFFFF  }
0x39: {  	_ =	task.clear_ibuf [dreg:s7], $0x2FFFF;
	_ =	strace $0x9FFFFFFF  }
0x3a: {  	(tm) =	ssettm $0x7FFFFFFF  }
0x3b: {  	_ =	shalt  }
tec
execute0_lowered:
.L_overlay_start_1:
0x0: {  	(tag) =	ssettag $0x1  }
0x1: {  	s0 =	srdreg.scid  }
0x2: {  	s1 =	sshll.u32 s0, $0x4  }
0x3: {  	s0 =	stileid.u32;
	s1 =	sand.u32 $0x10, s1  }
0x4: {  	s1 =	sor.u32 s0, s1  }
0x5: {  	s6 =	rddreg [dreg:$0x0];
	s4 =	simm.s32 $0x1;
	s2 =	sshll.u32 s1, $0x7  }
0x6: {  	s7 =	simm.s32 $0x2;
	s12 =	simm.s32 $0x0;
	s1 =	ssub.s32 $0x4000, s2  }
0x7: {  	s8 =	simm.s32 $0x20000;
	s13 =	simm.s32 $0x0;
	s3 =	sand.u32 $0xF80, s1  }
0x8: {  	s9 =	simm.s32 $0x0;
	s5 =	sshrl.u32 s1, $0xC;
	p0 =	sne.s32 s3, $0x0  }
.Ltmp0:
0x9: {  	s1 =	rddreg [dreg:$0x2];
	s4 =	simm.s32 @!p0 $0x0;
	(pc) =	sbr.rel .LBB1_1-.Ltmp0, $4  }
0xa: {  	s11 =	simm.s32 $0x0;
	s3 =	rddreg [dreg:$0x1];
	s5 =	sadd.s32 s4, s5  }
0xb: {  	_ =	strace $0x8000004A;
	s4 =	simm.s32 $0x1;
	s5 =	smul.u32 $0xC8, s5  }
0xc: {  	s6 =	sadd.s32 $0x800, s6;
	s10 =	smov.u32 s2;
	[sflag:s4] =	ssyncpa.u1 $0x0  }
0xd: {  	p0 =	por $0x0, $0x0;
	[sflag:s7] =	ssyncpa.u1 $0x0;
	s7 =	sor.u32 $0x1, s5  }
.LBB1_4:
0xe: {  	s16 =	sshll.u32 s13, $0x3;
	s17 =	sand.u32 $0x78, s13  }
0xf: {  	s30 =	sand.u32 $0x7800, s13;
	s12 =	sshll.u32 s12, $0xF;
	s16 =	sand.u32 $0x3C00, s16  }
0x10: {  	s31 =	sand.u32 $0x7, s13;
	s16 =	sor.u32 s17, s16;
	s17 =	sadd.s32 s3, s30  }
0x11: {  	s13 =	sshll.u32 s31, $0x12;
	s16 =	sshrl.u32 s16, $0x3;
	s12 =	sadd.s32 s12, s17  }
0x12: {  	[tilespmem:s15+$0x0 ss:$0x81] =	vst.msk $0xffff, v1;
	s13 =	sor.u32 $0x400, s13;
	s12 =	sadd.s32 s16, s12  }
0x13: {  	[hbm4b:s12+s13] =	stream.strided.scatter [tilespmem:s14], [sflag:$0x2], $0x800, s8, s13, $0x20;
	[tilespmem:$0x2020] =	vst v63  }
.LBB1_5:
0x14: {  	s14 =	sadd.s32 $0x1, s9  }
0x15: {  	s12 =	sadd.s32 $0x1000, s10;
	s16 =	smov.u32 s10;
	p2 =	sgt.s32 s14, $0xC7  }
0x16: {  	s16 =	smov.u32 @p2 s12  }
0x17: {  	s14 =	simm.s32 @p2 $0x0;
	p2 =	sgt.s32 s16, $0x3FFF  }
0x18: {  	s16 =	smov.u32 @p2 s2;
	p2 =	sne.s32 s11, s7  }
.Ltmp1:
0x19: {  	p1 =	slt.u32 s11, $0x2;
	(pc) =	sbr.rel @!p2 .LBB1_6-.Ltmp1, $4  }
0x1a: {  	s15 =	simm.s32 @!p1 $0x2  }
0x1b: {  	s13 =	smov.u32 s10;
	p0 =	por !p0, !p0;
	_ =	swait.ge @!p1 [sflag:s15], $0x800  }
0x1c: {  	s12 =	smov.u32 s9;
	[sflag:s15] =	ssyncset.done @!p1 $0x0;
	s9 =	smov.u32 s14  }
0x1d: {  	s11 =	sadd.s32 $0x1, s11;
	[sflag:s15] =	ssyncadd.s32 @!p1 $0xFFFFF800;
	s10 =	smov.u32 s16  }
.LBB1_1:
0x1e: {  	p1 =	sge.u32 s11, s5  }
0x1f: {  	s14 =	sand.u32 @!p1 $0x1FFFFFF, s9  }
0x20: {  	s15 =	smulhi.u32 @!p1 $0x147AE15, s14;
	_ =	sdelay $0x1  }
0x21: {  	s15 =	smul.u32 @!p1 $0xC8, s15  }
0x22: {  	s16 =	sxor.u32 @!p1 $0xFFFFFFFF, s11;
	s17 =	smul.u32 @!p1 $0xC80, s10  }
0x23: {  	s31 =	sadd.s32 $0xFFFFFFFF, s11;
	s16 =	sshll.u32 @!p1 s16, $0xB;
	s14 =	ssub.s32 @!p1 s14, s15  }
0x24: {  	s15 =	sand.u32 @!p1 $0x800, s16;
	s16 =	sadd.s32 @!p1 s6, s17;
	s14 =	sshll.u32 @!p1 s14, $0x4  }
0x25: {  	s17 =	simm.s32 @!p1 $0x6400;
	s14 =	sadd.s32 @!p1 s14, s16;
	s16 =	simm.s32 @!p1 $0x10  }
0x26: {  	[tilespmem:s15], [sflag:$0x1] =	stream.strided.gather @!p1 [hbm4b:s14+s16], $0x800, s17, s16, $0x38;
	[tilespmem:$0x2020] =	vst v63  }
0x27: {  	p1 =	sge.u32 s31, s5  }
.Ltmp2:
0x28: {  	_ = 	snop;
	(pc) =	sbr.rel @p1 .LBB1_5-.Ltmp2, $1  }
0x29: {  	_ =	sdelay $0x3  }
0x2a: {  	s14 =	simm.s32 $0x1  }
0x2b: {  	s14 =	simm.s32 @!p0 $0x0  }
0x2c: {  	s15 =	sshll.u32 s14, $0xB  }
0x2d: {  	v0 =	vmov s15;
	_ =	sdelay $0x1  }
0x2e: {  	_ =	swait.ge [sflag:s4], $0x800  }
0x2f: {  	s31 =	sand.u32 $0x1, s11;
	[sflag:s4] =	ssyncset.done $0x0  }
0x30: {  	s17 =	simm.s32 $0x0;
	s14 =	smul.u32 $0x2040, s14;
	[sflag:s4] =	ssyncadd.s32 $0xFFFFF800  }
0x31: {  	s15 =	smul.u32 $0x2040, s31;
	v1 =	vld.idx.msk [tilespmem:v0+s17+$0x0 ss:$0x1], $0xffff;
	_ =	sdelay $0x1  }
0x32: {  	s14 =	sshrl.u32 s14, $0x2;
	s16 =	sshrl.u32 s15, $0x2  }
0x33: {  	s15 =	sor.u32 $0x1000, s14;
	s14 =	sor.u32 $0x1000, s16;
	s16 =	simm.s32 $0x40  }
.LBB1_3:
0x34: {  	s17 =	sshra.s32 s16, $0x2;
	p1 =	sne.s32 s16, $0x1FC0;
	s16 =	sadd.s32 $0x40, s16  }
.Ltmp3:
0x35: {  	[tilespmem:s15+$0x0 ss:$0x81] =	vst.msk $0xffff, v1;
	v1 =	vld.idx.msk [tilespmem:v0+s17+$0x0 ss:$0x1], $0xffff;
	(pc) =	sbr.rel @p1 .LBB1_3-.Ltmp3, $2  }
0x36: {  	_ =	sdelay $0x2  }
0x37: {  	s15 =	sadd.s32 $0x1, s15  }
.Ltmp4:
0x38: {  	_ = 	snop;
	(pc) =	sbr.rel .LBB1_4-.Ltmp4, $1  }
0x39: {  	_ =	sdelay $0x3  }
.LBB1_6:
0x3a: {  	_ =	sfence.sel $0x180000  }
0x3b: {  	s2 =	simm.s32 $0x1;
	[bflag:$0x0] =	sbarrier.arrive $0xFFFF  }
0x3c: {  	s31 =	simm.s32 $0x2;
	[sflag:s2] =	ssyncpa.u1 $0x1  }
0x3d: {  	[sflag:s31] =	ssyncpa.u1 $0x1  }
0x3e: {  	p0 =	sne.s32 s0, $0x0;
	_ =	strace $0x9000004A  }
0x3f: {  	s0 =	sadd.s32 @!p0 $0x100000, s1;
	[bflag:$0x2] =	sbarrier.arrive $0xFFFF  }
0x40: {  	[sflag:s0] =	ssyncadd.tile.s32 @!p0 $0x1;
	_ =	shalt  }
.Lfunc_end1:
_tile_overlayer_lowered:
.L_overlay_start_2:
0x41: {  	(tag) =	ssettag $0x2  }
0x42: {  	s0 =	rddreg [dreg:$0x0];
	s2 =	stileid.u32  }
0x43: {  	s1 =	rddreg [dreg:$0x1];
	p0 =	sne.s32 s2, $0x0  }
0x44: {  	s3 =	rddreg [dreg:$0x2];
	[bflag:$0x3] =	sbarrier.arrive $0xFFFF;
	s2 =	simm.s32 @!p0 $0x1C01  }
0x45: {  	[timem:s3], [sflag:s2] =	dma.local @!p0 [hbm:s0], s1  }
0x46: {  	s0 =	simm.s32 @!p0 $0x1  }
0x47: {  	_ =	swait.ge @!p0 [sflag:s0], s1  }
0x48: {  	s1 =	ssub.s32 @!p0 $0x0, s1;
	[sflag:s0] =	ssyncset.done @!p0 $0x0  }
0x49: {  	[sflag:s0] =	ssyncadd.s32 @!p0 s1  }
0x4a: {  	[bflag:$0x3] =	sbarrier.arrive $0xFFFF  }
0x4b: {  	_ =	shalt  }

</sc_bundles>
